<compile_context>
chip_gen: v7x
topology: tpu7x:2x2x1
jax: 0.10.2.dev20260603
libtpu: 0.0.44.dev20260713+nightly
codegen_flags: <defaults>
</compile_context>

<pallas_src>
import functools

import jax
import jax.numpy as jnp
from jax import lax
from jax.experimental import pallas as pl
from jax.experimental.pallas import tpu as pltpu
from jax.experimental.pallas import tpu_sc as plsc

B = 16384
D = 64
W = 4096
OF = 249856
NBLK = 62
YROWS = NBLK * W
NC = 2
NS = 16
NW = NC * NS
BPW = B // NW
CHUNK = 128
NCHUNK = BPW // CHUNK


def _bf16_hi_bits(x):
    r = lax.bitcast_convert_type(x, jnp.int32)
    r = r + jnp.int32(0x7FFF) + (lax.shift_right_logical(r, 16) & 1)
    return lax.shift_right_logical(r, 16)


def _tc_convert(tT):
    def body(a_ref, b_ref, c_ref, d_ref, o_ref):
        lo = jnp.concatenate([a_ref[...], c_ref[...]], axis=0).T
        hi = jnp.concatenate([b_ref[...], d_ref[...]], axis=0).T
        o_ref[...] = _bf16_hi_bits(lo) | lax.shift_left(_bf16_hi_bits(hi), 16)

    return pl.pallas_call(
        body,
        grid=(NBLK,),
        in_specs=[
            pl.BlockSpec((D, W), lambda j: (0, j)),
            pl.BlockSpec((D, W), lambda j: (0, 61 + j)),
            pl.BlockSpec((D, W), lambda j: (0, 122 + j)),
            pl.BlockSpec((D, W), lambda j: (0, 183 + j)),
        ],
        out_specs=pl.BlockSpec((W, 2 * D), lambda j: (j, 0)),
        out_shape=jax.ShapeDtypeStruct((YROWS, 2 * D), jnp.int32),
        compiler_params=pltpu.CompilerParams(
            dimension_semantics=("parallel",)),
    )(tT, tT, tT, tT)


def _sc_gather(idx2d, table2):
    mesh = plsc.VectorSubcoreMesh(core_axis_name="c", subcore_axis_name="s")

    @functools.partial(
        pl.kernel,
        mesh=mesh,
        out_type=jax.ShapeDtypeStruct((B, 2 * D), jnp.int32),
        scratch_types=[
            pltpu.VMEM((NCHUNK, CHUNK), jnp.int32),
            pltpu.VMEM((BPW, 2 * D), jnp.int32),
            pltpu.SemaphoreType.DMA,
        ],
    )
    def k(ix_hbm, t_hbm, o_hbm, ix_v, rows_v, sem):
        wid = lax.axis_index("s") * NC + lax.axis_index("c")
        base = wid * BPW
        pltpu.sync_copy(ix_hbm.at[pl.ds(wid * NCHUNK, NCHUNK)], ix_v)
        copies = []
        for g in range(NCHUNK):
            copies.append(pltpu.async_copy(
                t_hbm.at[ix_v.at[g]],
                rows_v.at[pl.ds(g * CHUNK, CHUNK)], sem))
        for cp in copies:
            cp.wait()
        pltpu.sync_copy(rows_v, o_hbm.at[pl.ds(base, BPW)])

    return k(idx2d, table2)


def _unpack(x_ref, idx_ref):
    u = idx_ref[...][:, None]
    hiwin = u >= 2 * OF
    odd = jnp.logical_xor(jnp.logical_xor(u >= OF, hiwin), u >= 3 * OF)
    x = x_ref[...]
    s = jnp.where(hiwin, x[:, D:], x[:, :D])
    bits = jnp.where(odd, lax.shift_right_logical(s, 16),
                     s & jnp.int32(0xFFFF))
    return lax.bitcast_convert_type(lax.shift_left(bits, 16), jnp.float32)


def _tc_cosine(qg, cg, user, item):
    def body(q_ref, c_ref, u_ref, i_ref, o_ref):
        qv = _unpack(q_ref, u_ref)
        cv = _unpack(c_ref, i_ref)
        eps = jnp.float32(1e-8)
        st = jnp.concatenate([qv * cv, qv * qv, cv * cv],
                             axis=0).astype(jnp.bfloat16)
        ones = jnp.ones((D, 8), jnp.bfloat16)
        sums = lax.dot_general(st, ones, (((1,), (0,)), ((), ())),
                               preferred_element_type=jnp.float32)
        dot = sums[0 * B:1 * B, 0]
        qn = jnp.maximum(jnp.sqrt(sums[1 * B:2 * B, 0]), eps)
        cn = jnp.maximum(jnp.sqrt(sums[2 * B:3 * B, 0]), eps)
        o_ref[...] = dot / (qn * cn)

    return pl.pallas_call(
        body,
        out_shape=jax.ShapeDtypeStruct((B,), jnp.float32),
    )(qg, cg, user, item)


def kernel(user, item, user_table, item_table):
    yu = _tc_convert(user_table.T)
    yi = _tc_convert(item_table.T)
    uq = ((user >= OF).astype(jnp.int32) + (user >= 2 * OF)
          + (user >= 3 * OF))
    iq = ((item >= OF).astype(jnp.int32) + (item >= 2 * OF)
          + (item >= 3 * OF))
    uix = (user - uq * OF).reshape(NW * NCHUNK, CHUNK)
    iix = (item - iq * OF).reshape(NW * NCHUNK, CHUNK)
    qg = _sc_gather(uix, yu)
    cg = _sc_gather(iix, yi)
    return _tc_cosine(qg, cg, user, item)

# --- scband reference (transcript-rebuilt; emitter-appended) ---
"""Pipeline reference for scband-two-tower-rating-46978352283695 (READ-ONLY COPY).

The authoritative reference and input builder live on the scoring server;
editing this copy changes nothing except your own understanding.
"""

import jax, jax.numpy as jnp
import numpy as np

NUM_USERS = 1000000
NUM_ITEMS = 1000000
EMBED_DIM = 64
BATCH = 16384


def setup_inputs(seed: int = 0) -> dict:
    key = jax.random.key(seed)
    k_user, k_item, k_ue, k_ie = jax.random.split(key, 4)
    user = jax.random.randint(k_user, (BATCH,), 0, NUM_USERS, dtype=jnp.int64) if jax.config.jax_enable_x64 else jax.random.randint(k_user, (BATCH,), 0, NUM_USERS, dtype=jnp.int32)
    item = jax.random.randint(k_item, (BATCH,), 0, NUM_ITEMS, dtype=jnp.int32)
    user = user.astype(jnp.int32)
    user_table = jax.random.normal(k_ue, (NUM_USERS, EMBED_DIM), dtype=jnp.float32)
    item_table = jax.random.normal(k_ie, (NUM_ITEMS, EMBED_DIM), dtype=jnp.float32)
    return {"user": user, "item": item, "user_table": user_table, "item_table": item_table}


def reference(user, item, user_table, item_table):
    # Embedding lookups (gather)
    query_emb = jnp.take(user_table, user, axis=0)      # (B, D)
    candidate_emb = jnp.take(item_table, item, axis=0)  # (B, D)
    # torch.nn.functional.cosine_similarity semantics (eps=1e-8):
    eps = 1e-8
    dot = jnp.sum(query_emb * candidate_emb, axis=-1)
    qn = jnp.maximum(jnp.linalg.norm(query_emb, axis=-1), eps)
    cn = jnp.maximum(jnp.linalg.norm(candidate_emb, axis=-1), eps)
    output = dot / (qn * cn)
    return output

if __name__ == "__main__":
    import jax
    _d = setup_inputs()
    print(jax.jit(kernel)(*tuple(_d.values())))

</pallas_src>

<mosaic_0001>
#map = affine_map<(d0, d1) -> (0, 0)>
module attributes {stable_mosaic.version = 14 : i64} {
  func.func @k(%arg0: i32, %arg1: i32, %arg2: memref<128x128xi32, #tpu.memory_space<hbm>>, %arg3: memref<253952x128xi32, #tpu.memory_space<hbm>>, %arg4: memref<16384x128xi32, #tpu.memory_space<hbm>>, %arg5: memref<4x128xi32, #tpu.memory_space<vmem>>, %arg6: memref<512x128xi32, #tpu.memory_space<vmem>>, %arg7: memref<!tpu.dma_semaphore, #tpu.memory_space<semaphore_mem>>) attributes {dimension_semantics = [#tpu.dimension_semantics<core_parallel>, #tpu.dimension_semantics<subcore_parallel>], iteration_bounds = array<i64: 2, 16>, scalar_prefetch = 0 : i64, scratch_operands = 3 : i64, tpu.core_type = #tpu.core_type<sc_vector_subcore>, window_params = [{transform_indices = #map}, {transform_indices = #map}, {transform_indices = #map}]} {
    %mul3A = arith.constant 2 : i32
    %mul3A_0 = arith.muli %arg1, %mul3A : i32
    %add3A = arith.addi %mul3A_0, %arg0 : i32
    %mul3A_1 = arith.constant 512 : i32
    %mul3A_2 = arith.muli %add3A, %mul3A_1 : i32
    %mul3A_3 = arith.constant 4 : i32
    %mul3A_4 = arith.muli %add3A, %mul3A_3 : i32
    "tpu.region"() ({
      %run_scoped3A = tpu.sem_alloc : memref<!tpu.dma_semaphore, #tpu.memory_space<semaphore_mem>>
      %dma_start3A_83 = arith.constant 0 : i32
      %dma_start3A_84 = tpu.memref_slice %arg2[%mul3A_4, %dma_start3A_83] : memref<128x128xi32, #tpu.memory_space<hbm>> -> memref<4x128xi32, #tpu.memory_space<hbm>>
      %dma_start3A_85 = arith.constant 0 : i32
      %dma_start3A_86 = tpu.memref_slice %arg2[%mul3A_4, %dma_start3A_85] : memref<128x128xi32, #tpu.memory_space<hbm>> -> memref<4x128xi32, #tpu.memory_space<hbm>>
      tpu.enqueue_dma source(%dma_start3A_86 : memref<4x128xi32, #tpu.memory_space<hbm>>) target(%arg5 : memref<4x128xi32, #tpu.memory_space<vmem>>) target_semaphore(%run_scoped3A : memref<!tpu.dma_semaphore, #tpu.memory_space<semaphore_mem>>)
      %dma_wait3A_87 = arith.constant 0 : i32
      %dma_wait3A_88 = tpu.memref_slice %arg2[%mul3A_4, %dma_wait3A_87] : memref<128x128xi32, #tpu.memory_space<hbm>> -> memref<4x128xi32, #tpu.memory_space<hbm>>
      %dma_wait3A_89 = arith.constant 0 : i32
      %dma_wait3A_90 = tpu.memref_slice %arg2[%mul3A_4, %dma_wait3A_89] : memref<128x128xi32, #tpu.memory_space<hbm>> -> memref<4x128xi32, #tpu.memory_space<hbm>>
      tpu.wait_dma2 semaphore(%run_scoped3A : memref<!tpu.dma_semaphore, #tpu.memory_space<semaphore_mem>>) src(%dma_wait3A_90 : memref<4x128xi32, #tpu.memory_space<hbm>>) dst(%arg5 : memref<4x128xi32, #tpu.memory_space<vmem>>)
      tpu.yield
    }) : () -> ()
    %dma_start3A = arith.constant 0 : i32
    %dma_start3A_5 = arith.constant 0 : i32
    %dma_start3A_6 = arith.constant 0 : i32
    %dma_start3A_7 = tpu.memref_slice %arg6[%dma_start3A_5, %dma_start3A_6] : memref<512x128xi32, #tpu.memory_space<vmem>> -> memref<128x128xi32, #tpu.memory_space<vmem>>
    %dma_start3A_8 = arith.constant 0 : i32
    %dma_start3A_9 = tpu.memref_slice %arg5[%dma_start3A, %dma_start3A_8] : memref<4x128xi32, #tpu.memory_space<vmem>> -> memref<1x128xi32, #tpu.memory_space<vmem>>
    %dma_start3A_10 = tpu.memref_squeeze %dma_start3A_9 : memref<1x128xi32, #tpu.memory_space<vmem>> -> memref<128xi32, #tpu.memory_space<vmem>>
    %dma_start3A_11 = arith.constant 0 : i32
    %dma_start3A_12 = arith.constant 0 : i32
    %dma_start3A_13 = tpu.memref_slice %arg3[%dma_start3A_11, %dma_start3A_12] : memref<253952x128xi32, #tpu.memory_space<hbm>> -> memref<253952x128xi32, #tpu.memory_space<hbm>>
    tpu.enqueue_indirect_dma source(%dma_start3A_13 : memref<253952x128xi32, #tpu.memory_space<hbm>>) target(%dma_start3A_7 : memref<128x128xi32, #tpu.memory_space<vmem>>) offsets(%dma_start3A_10 : memref<128xi32, #tpu.memory_space<vmem>>) semaphore(%arg7 : memref<!tpu.dma_semaphore, #tpu.memory_space<semaphore_mem>>)
    %dma_start3A_14 = arith.constant 1 : i32
    %dma_start3A_15 = arith.constant 128 : i32
    %dma_start3A_16 = arith.constant 0 : i32
    %dma_start3A_17 = tpu.memref_slice %arg6[%dma_start3A_15, %dma_start3A_16] : memref<512x128xi32, #tpu.memory_space<vmem>> -> memref<128x128xi32, #tpu.memory_space<vmem>>
    %dma_start3A_18 = arith.constant 0 : i32
    %dma_start3A_19 = tpu.memref_slice %arg5[%dma_start3A_14, %dma_start3A_18] : memref<4x128xi32, #tpu.memory_space<vmem>> -> memref<1x128xi32, #tpu.memory_space<vmem>>
    %dma_start3A_20 = tpu.memref_squeeze %dma_start3A_19 : memref<1x128xi32, #tpu.memory_space<vmem>> -> memref<128xi32, #tpu.memory_space<vmem>>
    %dma_start3A_21 = arith.constant 0 : i32
    %dma_start3A_22 = arith.constant 0 : i32
    %dma_start3A_23 = tpu.memref_slice %arg3[%dma_start3A_21, %dma_start3A_22] : memref<253952x128xi32, #tpu.memory_space<hbm>> -> memref<253952x128xi32, #tpu.memory_space<hbm>>
    tpu.enqueue_indirect_dma source(%dma_start3A_23 : memref<253952x128xi32, #tpu.memory_space<hbm>>) target(%dma_start3A_17 : memref<128x128xi32, #tpu.memory_space<vmem>>) offsets(%dma_start3A_20 : memref<128xi32, #tpu.memory_space<vmem>>) semaphore(%arg7 : memref<!tpu.dma_semaphore, #tpu.memory_space<semaphore_mem>>)
    %dma_start3A_24 = arith.constant 2 : i32
    %dma_start3A_25 = arith.constant 256 : i32
    %dma_start3A_26 = arith.constant 0 : i32
    %dma_start3A_27 = tpu.memref_slice %arg6[%dma_start3A_25, %dma_start3A_26] : memref<512x128xi32, #tpu.memory_space<vmem>> -> memref<128x128xi32, #tpu.memory_space<vmem>>
    %dma_start3A_28 = arith.constant 0 : i32
    %dma_start3A_29 = tpu.memref_slice %arg5[%dma_start3A_24, %dma_start3A_28] : memref<4x128xi32, #tpu.memory_space<vmem>> -> memref<1x128xi32, #tpu.memory_space<vmem>>
    %dma_start3A_30 = tpu.memref_squeeze %dma_start3A_29 : memref<1x128xi32, #tpu.memory_space<vmem>> -> memref<128xi32, #tpu.memory_space<vmem>>
    %dma_start3A_31 = arith.constant 0 : i32
    %dma_start3A_32 = arith.constant 0 : i32
    %dma_start3A_33 = tpu.memref_slice %arg3[%dma_start3A_31, %dma_start3A_32] : memref<253952x128xi32, #tpu.memory_space<hbm>> -> memref<253952x128xi32, #tpu.memory_space<hbm>>
    tpu.enqueue_indirect_dma source(%dma_start3A_33 : memref<253952x128xi32, #tpu.memory_space<hbm>>) target(%dma_start3A_27 : memref<128x128xi32, #tpu.memory_space<vmem>>) offsets(%dma_start3A_30 : memref<128xi32, #tpu.memory_space<vmem>>) semaphore(%arg7 : memref<!tpu.dma_semaphore, #tpu.memory_space<semaphore_mem>>)
    %dma_start3A_34 = arith.constant 3 : i32
    %dma_start3A_35 = arith.constant 384 : i32
    %dma_start3A_36 = arith.constant 0 : i32
    %dma_start3A_37 = tpu.memref_slice %arg6[%dma_start3A_35, %dma_start3A_36] : memref<512x128xi32, #tpu.memory_space<vmem>> -> memref<128x128xi32, #tpu.memory_space<vmem>>
    %dma_start3A_38 = arith.constant 0 : i32
    %dma_start3A_39 = tpu.memref_slice %arg5[%dma_start3A_34, %dma_start3A_38] : memref<4x128xi32, #tpu.memory_space<vmem>> -> memref<1x128xi32, #tpu.memory_space<vmem>>
    %dma_start3A_40 = tpu.memref_squeeze %dma_start3A_39 : memref<1x128xi32, #tpu.memory_space<vmem>> -> memref<128xi32, #tpu.memory_space<vmem>>
    %dma_start3A_41 = arith.constant 0 : i32
    %dma_start3A_42 = arith.constant 0 : i32
    %dma_start3A_43 = tpu.memref_slice %arg3[%dma_start3A_41, %dma_start3A_42] : memref<253952x128xi32, #tpu.memory_space<hbm>> -> memref<253952x128xi32, #tpu.memory_space<hbm>>
    tpu.enqueue_indirect_dma source(%dma_start3A_43 : memref<253952x128xi32, #tpu.memory_space<hbm>>) target(%dma_start3A_37 : memref<128x128xi32, #tpu.memory_space<vmem>>) offsets(%dma_start3A_40 : memref<128xi32, #tpu.memory_space<vmem>>) semaphore(%arg7 : memref<!tpu.dma_semaphore, #tpu.memory_space<semaphore_mem>>)
    %dma_wait3A = arith.constant 0 : i32
    %dma_wait3A_44 = arith.constant 0 : i32
    %dma_wait3A_45 = arith.constant 0 : i32
    %dma_wait3A_46 = tpu.memref_slice %arg6[%dma_wait3A_44, %dma_wait3A_45] : memref<512x128xi32, #tpu.memory_space<vmem>> -> memref<128x128xi32, #tpu.memory_space<vmem>>
    %dma_wait3A_47 = arith.constant 0 : i32
    %dma_wait3A_48 = tpu.memref_slice %arg5[%dma_wait3A, %dma_wait3A_47] : memref<4x128xi32, #tpu.memory_space<vmem>> -> memref<1x128xi32, #tpu.memory_space<vmem>>
    %dma_wait3A_49 = tpu.memref_squeeze %dma_wait3A_48 : memref<1x128xi32, #tpu.memory_space<vmem>> -> memref<128xi32, #tpu.memory_space<vmem>>
    %dma_wait3A_50 = arith.constant 0 : i32
    %dma_wait3A_51 = arith.constant 0 : i32
    %dma_wait3A_52 = tpu.memref_slice %arg3[%dma_wait3A_50, %dma_wait3A_51] : memref<253952x128xi32, #tpu.memory_space<hbm>> -> memref<253952x128xi32, #tpu.memory_space<hbm>>
    tpu.wait_indirect_dma semaphore(%arg7 : memref<!tpu.dma_semaphore, #tpu.memory_space<semaphore_mem>>) src(%dma_wait3A_52 : memref<253952x128xi32, #tpu.memory_space<hbm>>) dst(%dma_wait3A_46 : memref<128x128xi32, #tpu.memory_space<vmem>>)
    %dma_wait3A_53 = arith.constant 1 : i32
    %dma_wait3A_54 = arith.constant 128 : i32
    %dma_wait3A_55 = arith.constant 0 : i32
    %dma_wait3A_56 = tpu.memref_slice %arg6[%dma_wait3A_54, %dma_wait3A_55] : memref<512x128xi32, #tpu.memory_space<vmem>> -> memref<128x128xi32, #tpu.memory_space<vmem>>
    %dma_wait3A_57 = arith.constant 0 : i32
    %dma_wait3A_58 = tpu.memref_slice %arg5[%dma_wait3A_53, %dma_wait3A_57] : memref<4x128xi32, #tpu.memory_space<vmem>> -> memref<1x128xi32, #tpu.memory_space<vmem>>
    %dma_wait3A_59 = tpu.memref_squeeze %dma_wait3A_58 : memref<1x128xi32, #tpu.memory_space<vmem>> -> memref<128xi32, #tpu.memory_space<vmem>>
    %dma_wait3A_60 = arith.constant 0 : i32
    %dma_wait3A_61 = arith.constant 0 : i32
    %dma_wait3A_62 = tpu.memref_slice %arg3[%dma_wait3A_60, %dma_wait3A_61] : memref<253952x128xi32, #tpu.memory_space<hbm>> -> memref<253952x128xi32, #tpu.memory_space<hbm>>
    tpu.wait_indirect_dma semaphore(%arg7 : memref<!tpu.dma_semaphore, #tpu.memory_space<semaphore_mem>>) src(%dma_wait3A_62 : memref<253952x128xi32, #tpu.memory_space<hbm>>) dst(%dma_wait3A_56 : memref<128x128xi32, #tpu.memory_space<vmem>>)
    %dma_wait3A_63 = arith.constant 2 : i32
    %dma_wait3A_64 = arith.constant 256 : i32
    %dma_wait3A_65 = arith.constant 0 : i32
    %dma_wait3A_66 = tpu.memref_slice %arg6[%dma_wait3A_64, %dma_wait3A_65] : memref<512x128xi32, #tpu.memory_space<vmem>> -> memref<128x128xi32, #tpu.memory_space<vmem>>
    %dma_wait3A_67 = arith.constant 0 : i32
    %dma_wait3A_68 = tpu.memref_slice %arg5[%dma_wait3A_63, %dma_wait3A_67] : memref<4x128xi32, #tpu.memory_space<vmem>> -> memref<1x128xi32, #tpu.memory_space<vmem>>
    %dma_wait3A_69 = tpu.memref_squeeze %dma_wait3A_68 : memref<1x128xi32, #tpu.memory_space<vmem>> -> memref<128xi32, #tpu.memory_space<vmem>>
    %dma_wait3A_70 = arith.constant 0 : i32
    %dma_wait3A_71 = arith.constant 0 : i32
    %dma_wait3A_72 = tpu.memref_slice %arg3[%dma_wait3A_70, %dma_wait3A_71] : memref<253952x128xi32, #tpu.memory_space<hbm>> -> memref<253952x128xi32, #tpu.memory_space<hbm>>
    tpu.wait_indirect_dma semaphore(%arg7 : memref<!tpu.dma_semaphore, #tpu.memory_space<semaphore_mem>>) src(%dma_wait3A_72 : memref<253952x128xi32, #tpu.memory_space<hbm>>) dst(%dma_wait3A_66 : memref<128x128xi32, #tpu.memory_space<vmem>>)
    %dma_wait3A_73 = arith.constant 3 : i32
    %dma_wait3A_74 = arith.constant 384 : i32
    %dma_wait3A_75 = arith.constant 0 : i32
    %dma_wait3A_76 = tpu.memref_slice %arg6[%dma_wait3A_74, %dma_wait3A_75] : memref<512x128xi32, #tpu.memory_space<vmem>> -> memref<128x128xi32, #tpu.memory_space<vmem>>
    %dma_wait3A_77 = arith.constant 0 : i32
    %dma_wait3A_78 = tpu.memref_slice %arg5[%dma_wait3A_73, %dma_wait3A_77] : memref<4x128xi32, #tpu.memory_space<vmem>> -> memref<1x128xi32, #tpu.memory_space<vmem>>
    %dma_wait3A_79 = tpu.memref_squeeze %dma_wait3A_78 : memref<1x128xi32, #tpu.memory_space<vmem>> -> memref<128xi32, #tpu.memory_space<vmem>>
    %dma_wait3A_80 = arith.constant 0 : i32
    %dma_wait3A_81 = arith.constant 0 : i32
    %dma_wait3A_82 = tpu.memref_slice %arg3[%dma_wait3A_80, %dma_wait3A_81] : memref<253952x128xi32, #tpu.memory_space<hbm>> -> memref<253952x128xi32, #tpu.memory_space<hbm>>
    tpu.wait_indirect_dma semaphore(%arg7 : memref<!tpu.dma_semaphore, #tpu.memory_space<semaphore_mem>>) src(%dma_wait3A_82 : memref<253952x128xi32, #tpu.memory_space<hbm>>) dst(%dma_wait3A_76 : memref<128x128xi32, #tpu.memory_space<vmem>>)
    "tpu.region"() ({
      %run_scoped3A = tpu.sem_alloc : memref<!tpu.dma_semaphore, #tpu.memory_space<semaphore_mem>>
      %dma_start3A_83 = arith.constant 0 : i32
      %dma_start3A_84 = tpu.memref_slice %arg4[%mul3A_2, %dma_start3A_83] : memref<16384x128xi32, #tpu.memory_space<hbm>> -> memref<512x128xi32, #tpu.memory_space<hbm>>
      %dma_start3A_85 = arith.constant 0 : i32
      %dma_start3A_86 = tpu.memref_slice %arg4[%mul3A_2, %dma_start3A_85] : memref<16384x128xi32, #tpu.memory_space<hbm>> -> memref<512x128xi32, #tpu.memory_space<hbm>>
      tpu.enqueue_dma source(%arg6 : memref<512x128xi32, #tpu.memory_space<vmem>>) target(%dma_start3A_86 : memref<512x128xi32, #tpu.memory_space<hbm>>) target_semaphore(%run_scoped3A : memref<!tpu.dma_semaphore, #tpu.memory_space<semaphore_mem>>)
      %dma_wait3A_87 = arith.constant 0 : i32
      %dma_wait3A_88 = tpu.memref_slice %arg4[%mul3A_2, %dma_wait3A_87] : memref<16384x128xi32, #tpu.memory_space<hbm>> -> memref<512x128xi32, #tpu.memory_space<hbm>>
      %dma_wait3A_89 = arith.constant 0 : i32
      %dma_wait3A_90 = tpu.memref_slice %arg4[%mul3A_2, %dma_wait3A_89] : memref<16384x128xi32, #tpu.memory_space<hbm>> -> memref<512x128xi32, #tpu.memory_space<hbm>>
      tpu.wait_dma2 semaphore(%run_scoped3A : memref<!tpu.dma_semaphore, #tpu.memory_space<semaphore_mem>>) src(%arg6 : memref<512x128xi32, #tpu.memory_space<vmem>>) dst(%dma_wait3A_90 : memref<512x128xi32, #tpu.memory_space<hbm>>)
      tpu.yield
    }) : () -> ()
    return
  }
}

#map = affine_map<(d0, d1) -> (0, 0)>
module attributes {stable_mosaic.version = 14 : i64} {
  func.func @k(%arg0: i32, %arg1: i32, %arg2: memref<128x128xi32, #tpu.memory_space<hbm>>, %arg3: memref<253952x128xi32, #tpu.memory_space<hbm>>, %arg4: memref<16384x128xi32, #tpu.memory_space<hbm>>, %arg5: memref<4x128xi32, #tpu.memory_space<vmem>>, %arg6: memref<512x128xi32, #tpu.memory_space<vmem>>, %arg7: memref<!tpu.dma_semaphore, #tpu.memory_space<semaphore_mem>>) attributes {dimension_semantics = [#tpu.dimension_semantics<core_parallel>, #tpu.dimension_semantics<subcore_parallel>], iteration_bounds = array<i64: 2, 16>, scalar_prefetch = 0 : i64, scratch_operands = 3 : i64, tpu.core_type = #tpu.core_type<sc_vector_subcore>, window_params = [{transform_indices = #map}, {transform_indices = #map}, {transform_indices = #map}]} {
    %mul3A = arith.constant 2 : i32
    %mul3A_0 = arith.muli %arg1, %mul3A : i32
    %add3A = arith.addi %mul3A_0, %arg0 : i32
    %mul3A_1 = arith.constant 512 : i32
    %mul3A_2 = arith.muli %add3A, %mul3A_1 : i32
    %mul3A_3 = arith.constant 4 : i32
    %mul3A_4 = arith.muli %add3A, %mul3A_3 : i32
    "tpu.region"() ({
      %run_scoped3A = tpu.sem_alloc : memref<!tpu.dma_semaphore, #tpu.memory_space<semaphore_mem>>
      %dma_start3A_83 = arith.constant 0 : i32
      %dma_start3A_84 = tpu.memref_slice %arg2[%mul3A_4, %dma_start3A_83] : memref<128x128xi32, #tpu.memory_space<hbm>> -> memref<4x128xi32, #tpu.memory_space<hbm>>
      %dma_start3A_85 = arith.constant 0 : i32
      %dma_start3A_86 = tpu.memref_slice %arg2[%mul3A_4, %dma_start3A_85] : memref<128x128xi32, #tpu.memory_space<hbm>> -> memref<4x128xi32, #tpu.memory_space<hbm>>
      tpu.enqueue_dma source(%dma_start3A_86 : memref<4x128xi32, #tpu.memory_space<hbm>>) target(%arg5 : memref<4x128xi32, #tpu.memory_space<vmem>>) target_semaphore(%run_scoped3A : memref<!tpu.dma_semaphore, #tpu.memory_space<semaphore_mem>>)
      %dma_wait3A_87 = arith.constant 0 : i32
      %dma_wait3A_88 = tpu.memref_slice %arg2[%mul3A_4, %dma_wait3A_87] : memref<128x128xi32, #tpu.memory_space<hbm>> -> memref<4x128xi32, #tpu.memory_space<hbm>>
      %dma_wait3A_89 = arith.constant 0 : i32
      %dma_wait3A_90 = tpu.memref_slice %arg2[%mul3A_4, %dma_wait3A_89] : memref<128x128xi32, #tpu.memory_space<hbm>> -> memref<4x128xi32, #tpu.memory_space<hbm>>
      tpu.wait_dma2 semaphore(%run_scoped3A : memref<!tpu.dma_semaphore, #tpu.memory_space<semaphore_mem>>) src(%dma_wait3A_90 : memref<4x128xi32, #tpu.memory_space<hbm>>) dst(%arg5 : memref<4x128xi32, #tpu.memory_space<vmem>>)
      tpu.yield
    }) : () -> ()
    %dma_start3A = arith.constant 0 : i32
    %dma_start3A_5 = arith.constant 0 : i32
    %dma_start3A_6 = arith.constant 0 : i32
    %dma_start3A_7 = tpu.memref_slice %arg6[%dma_start3A_5, %dma_start3A_6] : memref<512x128xi32, #tpu.memory_space<vmem>> -> memref<128x128xi32, #tpu.memory_space<vmem>>
    %dma_start3A_8 = arith.constant 0 : i32
    %dma_start3A_9 = tpu.memref_slice %arg5[%dma_start3A, %dma_start3A_8] : memref<4x128xi32, #tpu.memory_space<vmem>> -> memref<1x128xi32, #tpu.memory_space<vmem>>
    %dma_start3A_10 = tpu.memref_squeeze %dma_start3A_9 : memref<1x128xi32, #tpu.memory_space<vmem>> -> memref<128xi32, #tpu.memory_space<vmem>>
    %dma_start3A_11 = arith.constant 0 : i32
    %dma_start3A_12 = arith.constant 0 : i32
    %dma_start3A_13 = tpu.memref_slice %arg3[%dma_start3A_11, %dma_start3A_12] : memref<253952x128xi32, #tpu.memory_space<hbm>> -> memref<253952x128xi32, #tpu.memory_space<hbm>>
    tpu.enqueue_indirect_dma source(%dma_start3A_13 : memref<253952x128xi32, #tpu.memory_space<hbm>>) target(%dma_start3A_7 : memref<128x128xi32, #tpu.memory_space<vmem>>) offsets(%dma_start3A_10 : memref<128xi32, #tpu.memory_space<vmem>>) semaphore(%arg7 : memref<!tpu.dma_semaphore, #tpu.memory_space<semaphore_mem>>)
    %dma_start3A_14 = arith.constant 1 : i32
    %dma_start3A_15 = arith.constant 128 : i32
    %dma_start3A_16 = arith.constant 0 : i32
    %dma_start3A_17 = tpu.memref_slice %arg6[%dma_start3A_15, %dma_start3A_16] : memref<512x128xi32, #tpu.memory_space<vmem>> -> memref<128x128xi32, #tpu.memory_space<vmem>>
    %dma_start3A_18 = arith.constant 0 : i32
    %dma_start3A_19 = tpu.memref_slice %arg5[%dma_start3A_14, %dma_start3A_18] : memref<4x128xi32, #tpu.memory_space<vmem>> -> memref<1x128xi32, #tpu.memory_space<vmem>>
    %dma_start3A_20 = tpu.memref_squeeze %dma_start3A_19 : memref<1x128xi32, #tpu.memory_space<vmem>> -> memref<128xi32, #tpu.memory_space<vmem>>
    %dma_start3A_21 = arith.constant 0 : i32
    %dma_start3A_22 = arith.constant 0 : i32
    %dma_start3A_23 = tpu.memref_slice %arg3[%dma_start3A_21, %dma_start3A_22] : memref<253952x128xi32, #tpu.memory_space<hbm>> -> memref<253952x128xi32, #tpu.memory_space<hbm>>
    tpu.enqueue_indirect_dma source(%dma_start3A_23 : memref<253952x128xi32, #tpu.memory_space<hbm>>) target(%dma_start3A_17 : memref<128x128xi32, #tpu.memory_space<vmem>>) offsets(%dma_start3A_20 : memref<128xi32, #tpu.memory_space<vmem>>) semaphore(%arg7 : memref<!tpu.dma_semaphore, #tpu.memory_space<semaphore_mem>>)
    %dma_start3A_24 = arith.constant 2 : i32
    %dma_start3A_25 = arith.constant 256 : i32
    %dma_start3A_26 = arith.constant 0 : i32
    %dma_start3A_27 = tpu.memref_slice %arg6[%dma_start3A_25, %dma_start3A_26] : memref<512x128xi32, #tpu.memory_space<vmem>> -> memref<128x128xi32, #tpu.memory_space<vmem>>
    %dma_start3A_28 = arith.constant 0 : i32
    %dma_start3A_29 = tpu.memref_slice %arg5[%dma_start3A_24, %dma_start3A_28] : memref<4x128xi32, #tpu.memory_space<vmem>> -> memref<1x128xi32, #tpu.memory_space<vmem>>
    %dma_start3A_30 = tpu.memref_squeeze %dma_start3A_29 : memref<1x128xi32, #tpu.memory_space<vmem>> -> memref<128xi32, #tpu.memory_space<vmem>>
    %dma_start3A_31 = arith.constant 0 : i32
    %dma_start3A_32 = arith.constant 0 : i32
    %dma_start3A_33 = tpu.memref_slice %arg3[%dma_start3A_31, %dma_start3A_32] : memref<253952x128xi32, #tpu.memory_space<hbm>> -> memref<253952x128xi32, #tpu.memory_space<hbm>>
    tpu.enqueue_indirect_dma source(%dma_start3A_33 : memref<253952x128xi32, #tpu.memory_space<hbm>>) target(%dma_start3A_27 : memref<128x128xi32, #tpu.memory_space<vmem>>) offsets(%dma_start3A_30 : memref<128xi32, #tpu.memory_space<vmem>>) semaphore(%arg7 : memref<!tpu.dma_semaphore, #tpu.memory_space<semaphore_mem>>)
    %dma_start3A_34 = arith.constant 3 : i32
    %dma_start3A_35 = arith.constant 384 : i32
    %dma_start3A_36 = arith.constant 0 : i32
    %dma_start3A_37 = tpu.memref_slice %arg6[%dma_start3A_35, %dma_start3A_36] : memref<512x128xi32, #tpu.memory_space<vmem>> -> memref<128x128xi32, #tpu.memory_space<vmem>>
    %dma_start3A_38 = arith.constant 0 : i32
    %dma_start3A_39 = tpu.memref_slice %arg5[%dma_start3A_34, %dma_start3A_38] : memref<4x128xi32, #tpu.memory_space<vmem>> -> memref<1x128xi32, #tpu.memory_space<vmem>>
    %dma_start3A_40 = tpu.memref_squeeze %dma_start3A_39 : memref<1x128xi32, #tpu.memory_space<vmem>> -> memref<128xi32, #tpu.memory_space<vmem>>
    %dma_start3A_41 = arith.constant 0 : i32
    %dma_start3A_42 = arith.constant 0 : i32
    %dma_start3A_43 = tpu.memref_slice %arg3[%dma_start3A_41, %dma_start3A_42] : memref<253952x128xi32, #tpu.memory_space<hbm>> -> memref<253952x128xi32, #tpu.memory_space<hbm>>
    tpu.enqueue_indirect_dma source(%dma_start3A_43 : memref<253952x128xi32, #tpu.memory_space<hbm>>) target(%dma_start3A_37 : memref<128x128xi32, #tpu.memory_space<vmem>>) offsets(%dma_start3A_40 : memref<128xi32, #tpu.memory_space<vmem>>) semaphore(%arg7 : memref<!tpu.dma_semaphore, #tpu.memory_space<semaphore_mem>>)
    %dma_wait3A = arith.constant 0 : i32
    %dma_wait3A_44 = arith.constant 0 : i32
    %dma_wait3A_45 = arith.constant 0 : i32
    %dma_wait3A_46 = tpu.memref_slice %arg6[%dma_wait3A_44, %dma_wait3A_45] : memref<512x128xi32, #tpu.memory_space<vmem>> -> memref<128x128xi32, #tpu.memory_space<vmem>>
    %dma_wait3A_47 = arith.constant 0 : i32
    %dma_wait3A_48 = tpu.memref_slice %arg5[%dma_wait3A, %dma_wait3A_47] : memref<4x128xi32, #tpu.memory_space<vmem>> -> memref<1x128xi32, #tpu.memory_space<vmem>>
    %dma_wait3A_49 = tpu.memref_squeeze %dma_wait3A_48 : memref<1x128xi32, #tpu.memory_space<vmem>> -> memref<128xi32, #tpu.memory_space<vmem>>
    %dma_wait3A_50 = arith.constant 0 : i32
    %dma_wait3A_51 = arith.constant 0 : i32
    %dma_wait3A_52 = tpu.memref_slice %arg3[%dma_wait3A_50, %dma_wait3A_51] : memref<253952x128xi32, #tpu.memory_space<hbm>> -> memref<253952x128xi32, #tpu.memory_space<hbm>>
    tpu.wait_indirect_dma semaphore(%arg7 : memref<!tpu.dma_semaphore, #tpu.memory_space<semaphore_mem>>) src(%dma_wait3A_52 : memref<253952x128xi32, #tpu.memory_space<hbm>>) dst(%dma_wait3A_46 : memref<128x128xi32, #tpu.memory_space<vmem>>)
    %dma_wait3A_53 = arith.constant 1 : i32
    %dma_wait3A_54 = arith.constant 128 : i32
    %dma_wait3A_55 = arith.constant 0 : i32
    %dma_wait3A_56 = tpu.memref_slice %arg6[%dma_wait3A_54, %dma_wait3A_55] : memref<512x128xi32, #tpu.memory_space<vmem>> -> memref<128x128xi32, #tpu.memory_space<vmem>>
    %dma_wait3A_57 = arith.constant 0 : i32
    %dma_wait3A_58 = tpu.memref_slice %arg5[%dma_wait3A_53, %dma_wait3A_57] : memref<4x128xi32, #tpu.memory_space<vmem>> -> memref<1x128xi32, #tpu.memory_space<vmem>>
    %dma_wait3A_59 = tpu.memref_squeeze %dma_wait3A_58 : memref<1x128xi32, #tpu.memory_space<vmem>> -> memref<128xi32, #tpu.memory_space<vmem>>
    %dma_wait3A_60 = arith.constant 0 : i32
    %dma_wait3A_61 = arith.constant 0 : i32
    %dma_wait3A_62 = tpu.memref_slice %arg3[%dma_wait3A_60, %dma_wait3A_61] : memref<253952x128xi32, #tpu.memory_space<hbm>> -> memref<253952x128xi32, #tpu.memory_space<hbm>>
    tpu.wait_indirect_dma semaphore(%arg7 : memref<!tpu.dma_semaphore, #tpu.memory_space<semaphore_mem>>) src(%dma_wait3A_62 : memref<253952x128xi32, #tpu.memory_space<hbm>>) dst(%dma_wait3A_56 : memref<128x128xi32, #tpu.memory_space<vmem>>)
    %dma_wait3A_63 = arith.constant 2 : i32
    %dma_wait3A_64 = arith.constant 256 : i32
    %dma_wait3A_65 = arith.constant 0 : i32
    %dma_wait3A_66 = tpu.memref_slice %arg6[%dma_wait3A_64, %dma_wait3A_65] : memref<512x128xi32, #tpu.memory_space<vmem>> -> memref<128x128xi32, #tpu.memory_space<vmem>>
    %dma_wait3A_67 = arith.constant 0 : i32
    %dma_wait3A_68 = tpu.memref_slice %arg5[%dma_wait3A_63, %dma_wait3A_67] : memref<4x128xi32, #tpu.memory_space<vmem>> -> memref<1x128xi32, #tpu.memory_space<vmem>>
    %dma_wait3A_69 = tpu.memref_squeeze %dma_wait3A_68 : memref<1x128xi32, #tpu.memory_space<vmem>> -> memref<128xi32, #tpu.memory_space<vmem>>
    %dma_wait3A_70 = arith.constant 0 : i32
    %dma_wait3A_71 = arith.constant 0 : i32
    %dma_wait3A_72 = tpu.memref_slice %arg3[%dma_wait3A_70, %dma_wait3A_71] : memref<253952x128xi32, #tpu.memory_space<hbm>> -> memref<253952x128xi32, #tpu.memory_space<hbm>>
    tpu.wait_indirect_dma semaphore(%arg7 : memref<!tpu.dma_semaphore, #tpu.memory_space<semaphore_mem>>) src(%dma_wait3A_72 : memref<253952x128xi32, #tpu.memory_space<hbm>>) dst(%dma_wait3A_66 : memref<128x128xi32, #tpu.memory_space<vmem>>)
    %dma_wait3A_73 = arith.constant 3 : i32
    %dma_wait3A_74 = arith.constant 384 : i32
    %dma_wait3A_75 = arith.constant 0 : i32
    %dma_wait3A_76 = tpu.memref_slice %arg6[%dma_wait3A_74, %dma_wait3A_75] : memref<512x128xi32, #tpu.memory_space<vmem>> -> memref<128x128xi32, #tpu.memory_space<vmem>>
    %dma_wait3A_77 = arith.constant 0 : i32
    %dma_wait3A_78 = tpu.memref_slice %arg5[%dma_wait3A_73, %dma_wait3A_77] : memref<4x128xi32, #tpu.memory_space<vmem>> -> memref<1x128xi32, #tpu.memory_space<vmem>>
    %dma_wait3A_79 = tpu.memref_squeeze %dma_wait3A_78 : memref<1x128xi32, #tpu.memory_space<vmem>> -> memref<128xi32, #tpu.memory_space<vmem>>
    %dma_wait3A_80 = arith.constant 0 : i32
    %dma_wait3A_81 = arith.constant 0 : i32
    %dma_wait3A_82 = tpu.memref_slice %arg3[%dma_wait3A_80, %dma_wait3A_81] : memref<253952x128xi32, #tpu.memory_space<hbm>> -> memref<253952x128xi32, #tpu.memory_space<hbm>>
    tpu.wait_indirect_dma semaphore(%arg7 : memref<!tpu.dma_semaphore, #tpu.memory_space<semaphore_mem>>) src(%dma_wait3A_82 : memref<253952x128xi32, #tpu.memory_space<hbm>>) dst(%dma_wait3A_76 : memref<128x128xi32, #tpu.memory_space<vmem>>)
    "tpu.region"() ({
      %run_scoped3A = tpu.sem_alloc : memref<!tpu.dma_semaphore, #tpu.memory_space<semaphore_mem>>
      %dma_start3A_83 = arith.constant 0 : i32
      %dma_start3A_84 = tpu.memref_slice %arg4[%mul3A_2, %dma_start3A_83] : memref<16384x128xi32, #tpu.memory_space<hbm>> -> memref<512x128xi32, #tpu.memory_space<hbm>>
      %dma_start3A_85 = arith.constant 0 : i32
      %dma_start3A_86 = tpu.memref_slice %arg4[%mul3A_2, %dma_start3A_85] : memref<16384x128xi32, #tpu.memory_space<hbm>> -> memref<512x128xi32, #tpu.memory_space<hbm>>
      tpu.enqueue_dma source(%arg6 : memref<512x128xi32, #tpu.memory_space<vmem>>) target(%dma_start3A_86 : memref<512x128xi32, #tpu.memory_space<hbm>>) target_semaphore(%run_scoped3A : memref<!tpu.dma_semaphore, #tpu.memory_space<semaphore_mem>>)
      %dma_wait3A_87 = arith.constant 0 : i32
      %dma_wait3A_88 = tpu.memref_slice %arg4[%mul3A_2, %dma_wait3A_87] : memref<16384x128xi32, #tpu.memory_space<hbm>> -> memref<512x128xi32, #tpu.memory_space<hbm>>
      %dma_wait3A_89 = arith.constant 0 : i32
      %dma_wait3A_90 = tpu.memref_slice %arg4[%mul3A_2, %dma_wait3A_89] : memref<16384x128xi32, #tpu.memory_space<hbm>> -> memref<512x128xi32, #tpu.memory_space<hbm>>
      tpu.wait_dma2 semaphore(%run_scoped3A : memref<!tpu.dma_semaphore, #tpu.memory_space<semaphore_mem>>) src(%arg6 : memref<512x128xi32, #tpu.memory_space<vmem>>) dst(%dma_wait3A_90 : memref<512x128xi32, #tpu.memory_space<hbm>>)
      tpu.yield
    }) : () -> ()
    return
  }
}

module attributes {stable_mosaic.version = 14 : i64} {
  func.func @body(%arg0: i32, %arg1: memref<64x4096xf32, #tpu.memory_space<vmem>>, %arg2: memref<64x4096xf32, #tpu.memory_space<vmem>>, %arg3: memref<64x4096xf32, #tpu.memory_space<vmem>>, %arg4: memref<64x4096xf32, #tpu.memory_space<vmem>>, %arg5: memref<4096x128xi32, #tpu.memory_space<vmem>>) attributes {dimension_semantics = [#tpu.dimension_semantics<parallel>], iteration_bounds = array<i64: 62>, scalar_prefetch = 0 : i64, scratch_operands = 0 : i64, tpu.core_type = #tpu.core_type<tc>, window_params = [{transform_indices = @transform_0, window_bounds = array<i64: 64, 4096>}, {transform_indices = @transform_1, window_bounds = array<i64: 64, 4096>}, {transform_indices = @transform_2, window_bounds = array<i64: 64, 4096>}, {transform_indices = @transform_3, window_bounds = array<i64: 64, 4096>}, {transform_indices = @transform_4, window_bounds = array<i64: 4096, 128>}]} {
    %get3A = arith.constant 0 : index
    %get3A_0 = arith.constant 0 : index
    %get3A_1 = vector.load %arg1[%get3A, %get3A_0] : memref<64x4096xf32, #tpu.memory_space<vmem>>, vector<64x4096xf32>
    %get3A_2 = arith.constant 0 : index
    %get3A_3 = arith.constant 0 : index
    %get3A_4 = vector.load %arg3[%get3A_2, %get3A_3] : memref<64x4096xf32, #tpu.memory_space<vmem>>, vector<64x4096xf32>
    %concatenate3A = tpu.concatenate %get3A_1, %get3A_4 in 0 : vector<64x4096xf32>, vector<64x4096xf32> -> vector<128x4096xf32>
    %transpose3A = tpu.transpose %concatenate3A, [1, 0] : vector<128x4096xf32> -> vector<4096x128xf32>
    %get3A_5 = arith.constant 0 : index
    %get3A_6 = arith.constant 0 : index
    %get3A_7 = vector.load %arg2[%get3A_5, %get3A_6] : memref<64x4096xf32, #tpu.memory_space<vmem>>, vector<64x4096xf32>
    %get3A_8 = arith.constant 0 : index
    %get3A_9 = arith.constant 0 : index
    %get3A_10 = vector.load %arg4[%get3A_8, %get3A_9] : memref<64x4096xf32, #tpu.memory_space<vmem>>, vector<64x4096xf32>
    %concatenate3A_11 = tpu.concatenate %get3A_7, %get3A_10 in 0 : vector<64x4096xf32>, vector<64x4096xf32> -> vector<128x4096xf32>
    %transpose3A_12 = tpu.transpose %concatenate3A_11, [1, 0] : vector<128x4096xf32> -> vector<4096x128xf32>
    %bitcast_convert_type3A = tpu.bitcast %transpose3A : vector<4096x128xf32> -> vector<4096x128xi32>
    %add3A = arith.constant 32767 : i32
    %add3A_13 = vector.broadcast %add3A : i32 to vector<4096x128xi32>
    %add3A_14 = arith.addi %bitcast_convert_type3A, %add3A_13 : vector<4096x128xi32>
    %shift_right_logical3A = arith.constant 16 : i32
    %shift_right_logical3A_15 = vector.broadcast %shift_right_logical3A : i32 to vector<4096x128xi32>
    %shift_right_logical3A_16 = arith.shrui %bitcast_convert_type3A, %shift_right_logical3A_15 : vector<4096x128xi32>
    %and3A = arith.constant 1 : i32
    %and3A_17 = vector.broadcast %and3A : i32 to vector<4096x128xi32>
    %and3A_18 = arith.andi %shift_right_logical3A_16, %and3A_17 : vector<4096x128xi32>
    %add3A_19 = arith.addi %add3A_14, %and3A_18 : vector<4096x128xi32>
    %shift_right_logical3A_20 = arith.constant 16 : i32
    %shift_right_logical3A_21 = vector.broadcast %shift_right_logical3A_20 : i32 to vector<4096x128xi32>
    %shift_right_logical3A_22 = arith.shrui %add3A_19, %shift_right_logical3A_21 : vector<4096x128xi32>
    %bitcast_convert_type3A_23 = tpu.bitcast %transpose3A_12 : vector<4096x128xf32> -> vector<4096x128xi32>
    %add3A_24 = arith.constant 32767 : i32
    %add3A_25 = vector.broadcast %add3A_24 : i32 to vector<4096x128xi32>
    %add3A_26 = arith.addi %bitcast_convert_type3A_23, %add3A_25 : vector<4096x128xi32>
    %shift_right_logical3A_27 = arith.constant 16 : i32
    %shift_right_logical3A_28 = vector.broadcast %shift_right_logical3A_27 : i32 to vector<4096x128xi32>
    %shift_right_logical3A_29 = arith.shrui %bitcast_convert_type3A_23, %shift_right_logical3A_28 : vector<4096x128xi32>
    %and3A_30 = arith.constant 1 : i32
    %and3A_31 = vector.broadcast %and3A_30 : i32 to vector<4096x128xi32>
    %and3A_32 = arith.andi %shift_right_logical3A_29, %and3A_31 : vector<4096x128xi32>
    %add3A_33 = arith.addi %add3A_26, %and3A_32 : vector<4096x128xi32>
    %shift_right_logical3A_34 = arith.constant 16 : i32
    %shift_right_logical3A_35 = vector.broadcast %shift_right_logical3A_34 : i32 to vector<4096x128xi32>
    %shift_right_logical3A_36 = arith.shrui %add3A_33, %shift_right_logical3A_35 : vector<4096x128xi32>
    %shift_left3A = arith.constant 16 : i32
    %shift_left3A_37 = vector.broadcast %shift_left3A : i32 to vector<4096x128xi32>
    %shift_left3A_38 = arith.shli %shift_right_logical3A_36, %shift_left3A_37 : vector<4096x128xi32>
    %or3A = arith.ori %shift_right_logical3A_22, %shift_left3A_38 : vector<4096x128xi32>
    %swap3A = arith.constant 0 : index
    %swap3A_39 = arith.constant 0 : index
    %swap3A_40 = vector.load %arg5[%swap3A, %swap3A_39] : memref<4096x128xi32, #tpu.memory_space<vmem>>, vector<4096x128xi32>
    tpu.vector_store %arg5[%swap3A, %swap3A_39], %or3A {strides = array<i32>} : memref<4096x128xi32, #tpu.memory_space<vmem>>, vector<4096x128xi32>,
    return
  }
  func.func @transform_0(%arg0: i32) -> (i32, i32) {
    %c0_i32 = arith.constant 0 : i32
    %c0_i32_0 = arith.constant 0 : i32
    return %c0_i32, %arg0 : i32, i32
  }
  func.func @transform_1(%arg0: i32) -> (i32, i32) {
    %add3A = arith.constant 61 : i32
    %add3A_0 = arith.addi %add3A, %arg0 : i32
    %c0_i32 = arith.constant 0 : i32
    %c0_i32_1 = arith.constant 0 : i32
    return %c0_i32, %add3A_0 : i32, i32
  }
  func.func @transform_2(%arg0: i32) -> (i32, i32) {
    %add3A = arith.constant 122 : i32
    %add3A_0 = arith.addi %add3A, %arg0 : i32
    %c0_i32 = arith.constant 0 : i32
    %c0_i32_1 = arith.constant 0 : i32
    return %c0_i32, %add3A_0 : i32, i32
  }
  func.func @transform_3(%arg0: i32) -> (i32, i32) {
    %add3A = arith.constant 183 : i32
    %add3A_0 = arith.addi %add3A, %arg0 : i32
    %c0_i32 = arith.constant 0 : i32
    %c0_i32_1 = arith.constant 0 : i32
    return %c0_i32, %add3A_0 : i32, i32
  }
  func.func @transform_4(%arg0: i32) -> (i32, i32) {
    %c0_i32 = arith.constant 0 : i32
    %c0_i32_0 = arith.constant 0 : i32
    return %arg0, %c0_i32 : i32, i32
  }
}

module attributes {stable_mosaic.version = 14 : i64} {
  func.func @body(%arg0: memref<16384x128xi32, #tpu.memory_space<vmem>>, %arg1: memref<16384x128xi32, #tpu.memory_space<vmem>>, %arg2: memref<16384xi32, #tpu.memory_space<vmem>>, %arg3: memref<16384xi32, #tpu.memory_space<vmem>>, %arg4: memref<16384xf32, #tpu.memory_space<vmem>>) attributes {dimension_semantics = [], scalar_prefetch = 0 : i64, scratch_operands = 0 : i64, tpu.core_type = #tpu.core_type<tc>} {
    %get3A = arith.constant 0 : index
    %get3A_0 = vector.load %arg2[%get3A] : memref<16384xi32, #tpu.memory_space<vmem>>, vector<16384xi32>
    %broadcast_in_dim3A = vector.shape_cast %get3A_0 : vector<16384xi32> to vector<16384x1xi32>
    %ge3A = arith.constant 499712 : i32
    %ge3A_1 = vector.broadcast %ge3A : i32 to vector<16384x1xi32>
    %ge3A_2 = arith.cmpi sge, %broadcast_in_dim3A, %ge3A_1 : vector<16384x1xi32>
    %ge3A_3 = arith.constant 249856 : i32
    %ge3A_4 = vector.broadcast %ge3A_3 : i32 to vector<16384x1xi32>
    %ge3A_5 = arith.cmpi sge, %broadcast_in_dim3A, %ge3A_4 : vector<16384x1xi32>
    %xor3A = arith.xori %ge3A_5, %ge3A_2 : vector<16384x1xi1>
    %ge3A_6 = arith.constant 749568 : i32
    %ge3A_7 = vector.broadcast %ge3A_6 : i32 to vector<16384x1xi32>
    %ge3A_8 = arith.cmpi sge, %broadcast_in_dim3A, %ge3A_7 : vector<16384x1xi32>
    %xor3A_9 = arith.xori %xor3A, %ge3A_8 : vector<16384x1xi1>
    %get3A_10 = arith.constant 0 : index
    %get3A_11 = arith.constant 0 : index
    %get3A_12 = vector.load %arg0[%get3A_10, %get3A_11] : memref<16384x128xi32, #tpu.memory_space<vmem>>, vector<16384x128xi32>
    %slice3A = vector.extract_strided_slice %get3A_12 {offsets = [0, 64], sizes = [16384, 64], strides = [1, 1]} : vector<16384x128xi32> to vector<16384x64xi32>
    %slice3A_13 = vector.extract_strided_slice %get3A_12 {offsets = [0, 0], sizes = [16384, 64], strides = [1, 1]} : vector<16384x128xi32> to vector<16384x64xi32>
    %broadcast_in_dim3A_14 = vector.shape_cast %ge3A_2 : vector<16384x1xi1> to vector<16384x1xi1>
    %broadcast_in_dim3A_15 = vector.broadcast %broadcast_in_dim3A_14 : vector<16384x1xi1> to vector<16384x64xi1>
    %select_n3A = arith.select %broadcast_in_dim3A_15, %slice3A, %slice3A_13 : vector<16384x64xi1>, vector<16384x64xi32>
    %shift_right_logical3A = arith.constant 16 : i32
    %shift_right_logical3A_16 = vector.broadcast %shift_right_logical3A : i32 to vector<16384x64xi32>
    %shift_right_logical3A_17 = arith.shrui %select_n3A, %shift_right_logical3A_16 : vector<16384x64xi32>
    %and3A = arith.constant 65535 : i32
    %and3A_18 = vector.broadcast %and3A : i32 to vector<16384x64xi32>
    %and3A_19 = arith.andi %select_n3A, %and3A_18 : vector<16384x64xi32>
    %broadcast_in_dim3A_20 = vector.shape_cast %xor3A_9 : vector<16384x1xi1> to vector<16384x1xi1>
    %broadcast_in_dim3A_21 = vector.broadcast %broadcast_in_dim3A_20 : vector<16384x1xi1> to vector<16384x64xi1>
    %select_n3A_22 = arith.select %broadcast_in_dim3A_21, %shift_right_logical3A_17, %and3A_19 : vector<16384x64xi1>, vector<16384x64xi32>
    %shift_left3A = arith.constant 16 : i32
    %shift_left3A_23 = vector.broadcast %shift_left3A : i32 to vector<16384x64xi32>
    %shift_left3A_24 = arith.shli %select_n3A_22, %shift_left3A_23 : vector<16384x64xi32>
    %bitcast_convert_type3A = tpu.bitcast %shift_left3A_24 : vector<16384x64xi32> -> vector<16384x64xf32>
    %get3A_25 = arith.constant 0 : index
    %get3A_26 = vector.load %arg3[%get3A_25] : memref<16384xi32, #tpu.memory_space<vmem>>, vector<16384xi32>
    %broadcast_in_dim3A_27 = vector.shape_cast %get3A_26 : vector<16384xi32> to vector<16384x1xi32>
    %ge3A_28 = arith.constant 499712 : i32
    %ge3A_29 = vector.broadcast %ge3A_28 : i32 to vector<16384x1xi32>
    %ge3A_30 = arith.cmpi sge, %broadcast_in_dim3A_27, %ge3A_29 : vector<16384x1xi32>
    %ge3A_31 = arith.constant 249856 : i32
    %ge3A_32 = vector.broadcast %ge3A_31 : i32 to vector<16384x1xi32>
    %ge3A_33 = arith.cmpi sge, %broadcast_in_dim3A_27, %ge3A_32 : vector<16384x1xi32>
    %xor3A_34 = arith.xori %ge3A_33, %ge3A_30 : vector<16384x1xi1>
    %ge3A_35 = arith.constant 749568 : i32
    %ge3A_36 = vector.broadcast %ge3A_35 : i32 to vector<16384x1xi32>
    %ge3A_37 = arith.cmpi sge, %broadcast_in_dim3A_27, %ge3A_36 : vector<16384x1xi32>
    %xor3A_38 = arith.xori %xor3A_34, %ge3A_37 : vector<16384x1xi1>
    %get3A_39 = arith.constant 0 : index
    %get3A_40 = arith.constant 0 : index
    %get3A_41 = vector.load %arg1[%get3A_39, %get3A_40] : memref<16384x128xi32, #tpu.memory_space<vmem>>, vector<16384x128xi32>
    %slice3A_42 = vector.extract_strided_slice %get3A_41 {offsets = [0, 64], sizes = [16384, 64], strides = [1, 1]} : vector<16384x128xi32> to vector<16384x64xi32>
    %slice3A_43 = vector.extract_strided_slice %get3A_41 {offsets = [0, 0], sizes = [16384, 64], strides = [1, 1]} : vector<16384x128xi32> to vector<16384x64xi32>
    %broadcast_in_dim3A_44 = vector.shape_cast %ge3A_30 : vector<16384x1xi1> to vector<16384x1xi1>
    %broadcast_in_dim3A_45 = vector.broadcast %broadcast_in_dim3A_44 : vector<16384x1xi1> to vector<16384x64xi1>
    %select_n3A_46 = arith.select %broadcast_in_dim3A_45, %slice3A_42, %slice3A_43 : vector<16384x64xi1>, vector<16384x64xi32>
    %shift_right_logical3A_47 = arith.constant 16 : i32
    %shift_right_logical3A_48 = vector.broadcast %shift_right_logical3A_47 : i32 to vector<16384x64xi32>
    %shift_right_logical3A_49 = arith.shrui %select_n3A_46, %shift_right_logical3A_48 : vector<16384x64xi32>
    %and3A_50 = arith.constant 65535 : i32
    %and3A_51 = vector.broadcast %and3A_50 : i32 to vector<16384x64xi32>
    %and3A_52 = arith.andi %select_n3A_46, %and3A_51 : vector<16384x64xi32>
    %broadcast_in_dim3A_53 = vector.shape_cast %xor3A_38 : vector<16384x1xi1> to vector<16384x1xi1>
    %broadcast_in_dim3A_54 = vector.broadcast %broadcast_in_dim3A_53 : vector<16384x1xi1> to vector<16384x64xi1>
    %select_n3A_55 = arith.select %broadcast_in_dim3A_54, %shift_right_logical3A_49, %and3A_52 : vector<16384x64xi1>, vector<16384x64xi32>
    %shift_left3A_56 = arith.constant 16 : i32
    %shift_left3A_57 = vector.broadcast %shift_left3A_56 : i32 to vector<16384x64xi32>
    %shift_left3A_58 = arith.shli %select_n3A_55, %shift_left3A_57 : vector<16384x64xi32>
    %bitcast_convert_type3A_59 = tpu.bitcast %shift_left3A_58 : vector<16384x64xi32> -> vector<16384x64xf32>
    %mul3A = arith.mulf %bitcast_convert_type3A, %bitcast_convert_type3A_59 : vector<16384x64xf32>
    %mul3A_60 = arith.mulf %bitcast_convert_type3A, %bitcast_convert_type3A : vector<16384x64xf32>
    %mul3A_61 = arith.mulf %bitcast_convert_type3A_59, %bitcast_convert_type3A_59 : vector<16384x64xf32>
    %concatenate3A = tpu.concatenate %mul3A, %mul3A_60, %mul3A_61 in 0 : vector<16384x64xf32>, vector<16384x64xf32>, vector<16384x64xf32> -> vector<49152x64xf32>
    %convert_element_type3A = arith.truncf %concatenate3A : vector<49152x64xf32> to vector<49152x64xbf16>
    %broadcast_in_dim3A_62 = arith.constant 1.000000e+00 : bf16
    %broadcast_in_dim3A_63 = vector.broadcast %broadcast_in_dim3A_62 : bf16 to vector<64x8xbf16>
    %dot_general3A = arith.constant dense<0.000000e+00> : vector<49152x8xf32>
    %dot_general3A_64 = tpu.matmul %convert_element_type3A, %broadcast_in_dim3A_63, %dot_general3A {dimension_numbers = #tpu.dot_dimension_numbers<[1], [0], [0], [1], [0, 0, 1, 1], [], []>, transpose_lhs_hint = false} : vector<49152x64xbf16>, vector<64x8xbf16>, vector<49152x8xf32> -> vector<49152x8xf32>
    %slice3A_65 = vector.extract_strided_slice %dot_general3A_64 {offsets = [0, 0], sizes = [16384, 1], strides = [1, 1]} : vector<49152x8xf32> to vector<16384x1xf32>
    %squeeze3A = vector.shape_cast %slice3A_65 : vector<16384x1xf32> to vector<16384xf32>
    %slice3A_66 = vector.extract_strided_slice %dot_general3A_64 {offsets = [16384, 0], sizes = [16384, 1], strides = [1, 1]} : vector<49152x8xf32> to vector<16384x1xf32>
    %squeeze3A_67 = vector.shape_cast %slice3A_66 : vector<16384x1xf32> to vector<16384xf32>
    %sqrt3A = math.sqrt %squeeze3A_67 : vector<16384xf32>
    %max3A = arith.constant 9.99999993E-9 : f32
    %max3A_68 = vector.broadcast %max3A : f32 to vector<16384xf32>
    %max3A_69 = arith.maximumf %sqrt3A, %max3A_68 : vector<16384xf32>
    %slice3A_70 = vector.extract_strided_slice %dot_general3A_64 {offsets = [32768, 0], sizes = [16384, 1], strides = [1, 1]} : vector<49152x8xf32> to vector<16384x1xf32>
    %squeeze3A_71 = vector.shape_cast %slice3A_70 : vector<16384x1xf32> to vector<16384xf32>
    %sqrt3A_72 = math.sqrt %squeeze3A_71 : vector<16384xf32>
    %max3A_73 = arith.constant 9.99999993E-9 : f32
    %max3A_74 = vector.broadcast %max3A_73 : f32 to vector<16384xf32>
    %max3A_75 = arith.maximumf %sqrt3A_72, %max3A_74 : vector<16384xf32>
    %mul3A_76 = arith.mulf %max3A_69, %max3A_75 : vector<16384xf32>
    %div3A = arith.divf %squeeze3A, %mul3A_76 : vector<16384xf32>
    %swap3A = arith.constant 0 : index
    %swap3A_77 = vector.load %arg4[%swap3A] : memref<16384xf32, #tpu.memory_space<vmem>>, vector<16384xf32>
    tpu.vector_store %arg4[%swap3A], %div3A {strides = array<i32>} : memref<16384xf32, #tpu.memory_space<vmem>>, vector<16384xf32>,
    return
  }
}

</mosaic_0001>

<sc_bundles>
// kernel: kernel.10.cloned.1.call-start
scs
__scs_entry_jumppad:
0x0: {  	(pc) =	sbr.rel $0x88, $3  }
0x1: {  	(tag) =	ssettag $0x0;
	lr =	simm.s32 $0x1  }
0x2: {  	[smem:$0x3F9D] =	sst lr;
	_ =	strace $0xD0000000  }
0x3: {  	_ = 	snop  }
0x4: {  	_ = 	snop  }
0x5: {  	_ = 	snop  }
0x6: {  	_ = 	snop  }
0x7: {  	_ = 	snop  }
__scs_overlays_trampoline_lowered:
0x8: {  	[smem:$0x3FAC] =	sst s0  }
0x9: {  	[smem:$0x3FAD] =	sst s1  }
0xa: {  	[smem:$0x3FAE] =	sst s2  }
0xb: {  	[smem:$0x3FAF] =	sst s3  }
0xc: {  	[smem:$0x3FB0] =	sst s4  }
0xd: {  	[smem:$0x3FB1] =	sst s5  }
0xe: {  	[smem:$0x3FB2] =	sst s6  }
0xf: {  	[smem:$0x3FB3] =	sst s7  }
0x10: {  	[smem:$0x3FB4] =	sst s8  }
0x11: {  	[smem:$0x3FB5] =	sst s9;
	s0 =	simm.s32 @!p0 $0x0  }
0x12: {  	s1 =	sld [smem:$0x3F9B];
	s0 =	simm.s32 @p0 $0x1  }
0x13: {  	[smem:$0x3FB6] =	sst s0;
	s0 =	simm.s32 @!p1 $0x0  }
0x14: {  	s2 =	sld [smem:$0x3F9A];
	s0 =	simm.s32 @p1 $0x1  }
0x15: {  	[smem:$0x3FB7] =	sst s0;
	s0 =	simm.s32 @!p2 $0x0  }
0x16: {  	s3 =	sld [smem:$0x3FDB];
	s0 =	simm.s32 @p2 $0x1  }
0x17: {  	s4 =	simm.s32 $0x1BF5;
	[smem:$0x3FB9] =	sst s0  }
0x18: {  	s0 =	sld [smem:$0x3F9C];
	_ =	swait.ge [sflag:s4], $0x0  }
0x19: {  	s7 =	sld [smem:$0x3F9D]  }
0x1a: {  	s8 =	sadd.s32 $0xFFFFE003, lr  }
0x1b: {  	s9 =	sadd.s32 $0xFFFFFEF7, lr;
	s5 =	simm.s32 $0xFFFFFFFF;
	p2 =	slt.u32 s8, $0xFFFFF086  }
0x1c: {  	p1 =	slt.u32 s9, $0xF7A;
	s5 =	simm.s32 @!p2 $0x0  }
0x1d: {  	s5 =	simm.s32 @p1 $0x1;
	p0 =	seq.s32 s7, s2  }
0x1e: {  	s7 =	smul.u32 @!p0 $0xF7A, s2;
	p2 =	seq.s32 @!p0 s5, $0x0  }
0x1f: {  	s9 =	smul.u32 $0xF7A, s1;
	s8 =	simm.s32 @!p0 $0x1BF5;
	p2 =	por !p2, p0  }
0x20: {  	[sflag:s8] =	ssyncset.s32 @!p0 $0xFFFFF086;
	s6 =	sadd.s32 @!p0 s3, s7;
	s7 =	simm.s32 @!p0 $0x108  }
0x21: {  	s3 =	sadd.s32 s3, s9;
	s6 =	sadd.s32 @!p0 $0x88, s6;
	s7 =	simm.s32 @p2 $0x1082  }
0x22: {  	[simem:s7], [sflag:s8] =	dma.local @!p0 [hbm:s6], $0xF7A  }
0x23: {  	s9 =	sor.u32 $0xD0000000, s2;
	s6 =	simm.s32 $0x108;
	_ =	swait.ge @!p0 [sflag:s8], $0x0  }
0x24: {  	s3 =	sadd.s32 $0x88, s3;
	s6 =	simm.s32 @!p1 $0x1082;
	[sflag:s4] =	ssyncset.s32 $0xFFFFF086  }
0x25: {  	[simem:s6], [sflag:s4] =	dma.local [hbm:s3], $0xF7A  }
0x26: {  	[smem:$0x3F9D] =	sst s1;
	(tag) =	ssettag s2;
	_ =	strace s9  }
0x27: {  	s1 =	sld [smem:$0x3FAD]  }
0x28: {  	s2 =	sld [smem:$0x3FAE]  }
0x29: {  	s4 =	sld [smem:$0x3FB0]  }
0x2a: {  	p0 =	seq.s32 s5, $0x0;
	s5 =	sld [smem:$0x3FB1]  }
0x2b: {  	s6 =	sld [smem:$0x3FB2]  }
0x2c: {  	s7 =	sld [smem:$0x3FB3]  }
0x2d: {  	s3 =	simm.s32 $0x108;
	s8 =	sld [smem:$0x3FB4]  }
0x2e: {  	s3 =	simm.s32 @!p0 $0x1082;
	s9 =	sld [smem:$0x3FB5]  }
0x2f: {  	lr =	sadd.s32 s0, s3;
	s0 =	sld [smem:$0x3FAC]  }
0x30: {  	s3 =	sld [smem:$0x3FAF]  }
0x31: {  	[smem:$0x3FB8] =	sst s10  }
0x32: {  	s10 =	sld [smem:$0x3FB6];
	_ =	sdelay $0x3  }
0x33: {  	p0 =	seq.s32 s10, $0x1;
	s10 =	sld [smem:$0x3FB8];
	_ =	sdelay $0x3  }
0x34: {  	[smem:$0x3FB8] =	sst s10  }
0x35: {  	s10 =	sld [smem:$0x3FB7];
	_ =	sdelay $0x3  }
0x36: {  	p1 =	seq.s32 s10, $0x1;
	s10 =	sld [smem:$0x3FB8];
	_ =	sdelay $0x3  }
0x37: {  	[smem:$0x3FB8] =	sst s10  }
0x38: {  	s10 =	sld [smem:$0x3FB9]  }
0x39: {  	_ = 	snop;
	(pc) =	sbr.ind lr, $3  }
0x3a: {  	_ = 	snop  }
0x3b: {  	_ = 	snop  }
0x3c: {  	p2 =	seq.s32 s10, $0x1;
	s10 =	sld [smem:$0x3FB8]  }
0x3d: {  	_ =	shalt  }
0x3e: {  	_ =	shalt  }
0x3f: {  	_ =	shalt  }
0x40: {  	_ =	shalt  }
0x41: {  	_ =	shalt  }
0x42: {  	_ =	shalt  }
0x43: {  	_ =	shalt  }
0x44: {  	_ =	shalt  }
0x45: {  	_ =	shalt  }
0x46: {  	_ =	shalt  }
0x47: {  	_ =	shalt  }
0x48: {  	_ =	shalt  }
0x49: {  	_ =	shalt  }
0x4a: {  	_ =	shalt  }
0x4b: {  	_ =	shalt  }
0x4c: {  	_ =	shalt  }
0x4d: {  	_ =	shalt  }
0x4e: {  	_ =	shalt  }
0x4f: {  	_ =	shalt  }
0x50: {  	_ =	shalt  }
0x51: {  	_ =	shalt  }
0x52: {  	_ =	shalt  }
0x53: {  	_ =	shalt  }
0x54: {  	_ =	shalt  }
0x55: {  	_ =	shalt  }
0x56: {  	_ =	shalt  }
0x57: {  	_ =	shalt  }
0x58: {  	_ =	shalt  }
0x59: {  	_ =	shalt  }
0x5a: {  	_ =	shalt  }
0x5b: {  	_ =	shalt  }
0x5c: {  	_ =	shalt  }
0x5d: {  	_ =	shalt  }
0x5e: {  	_ =	shalt  }
0x5f: {  	_ =	shalt  }
0x60: {  	_ =	shalt  }
0x61: {  	_ =	shalt  }
0x62: {  	_ =	shalt  }
0x63: {  	_ =	shalt  }
0x64: {  	_ =	shalt  }
0x65: {  	_ =	shalt  }
0x66: {  	_ =	shalt  }
0x67: {  	_ =	shalt  }
0x68: {  	_ =	shalt  }
0x69: {  	_ =	shalt  }
0x6a: {  	_ =	shalt  }
0x6b: {  	_ =	shalt  }
0x6c: {  	_ =	shalt  }
0x6d: {  	_ =	shalt  }
0x6e: {  	_ =	shalt  }
0x6f: {  	_ =	shalt  }
0x70: {  	_ =	shalt  }
0x71: {  	_ =	shalt  }
0x72: {  	_ =	shalt  }
0x73: {  	_ =	shalt  }
0x74: {  	_ =	shalt  }
0x75: {  	_ =	shalt  }
0x76: {  	_ =	shalt  }
0x77: {  	_ =	shalt  }
0x78: {  	_ =	shalt  }
0x79: {  	_ =	shalt  }
0x7a: {  	_ =	shalt  }
0x7b: {  	_ =	shalt  }
0x7c: {  	_ =	shalt  }
0x7d: {  	_ =	shalt  }
0x7e: {  	_ =	shalt  }
0x7f: {  	_ =	shalt  }
0x80: {  	_ =	shalt  }
0x81: {  	_ =	shalt  }
0x82: {  	_ =	shalt  }
0x83: {  	_ =	shalt  }
0x84: {  	_ =	shalt  }
0x85: {  	_ =	shalt  }
0x86: {  	_ =	shalt  }
0x87: {  	_ =	shalt  }
.Lfunc_end0:
.L_simem_size_0:
called_computation.1_lowered:
.L_overlay_start_0:
0x88: {  	s2 =	sld [smem:$0x3FD9]  }
0x89: {  	s3 =	sld [smem:$0x3FFE];
	_ =	sdelay $0x1  }
0x8a: {  	s1 =	srdreg.scid  }
0x8b: {  	s0 =	sand.u32 $0x1, s1  }
0x8c: {  	s17 =	sshll.u32 s0, $0xA;
	s2 =	sadd.s32 s3, s2  }
0x8d: {  	s2 =	sadd.s32 s2, s17  }
0x8e: {  	[smem:$0x3FC4] =	sst s2  }
0x8f: {  	_ = 	snop  }
0x90: {  	(tm) =	ssettm $0x1  }
0x91: {  	s18 =	sld [smem:$0x3FFB];
	_ =	sdelay $0x3  }
0x92: {  	_ =	strace s18  }
0x93: {  	s2 =	sld [smem:$0x3FFC];
	_ =	sdelay $0x3  }
0x94: {  	_ =	strace s2  }
0x95: {  	s2 =	sld [smem:$0x3FFD];
	_ =	sdelay $0x3  }
0x96: {  	_ =	strace s2  }
0x97: {  	_ =	strace $0x8FFFFFFF  }
0x98: {  	s19 =	sld [smem:$0x3FDB];
	_ =	sdelay $0x1  }
0x99: {  	s20 =	simm.s32 $_scs_section_size  }
0x9a: {  	s4 =	simm.s32 $_size__tile_overlayer_lowered;
	s5 =	simm.s32 $_tile_overlayer_lowered  }
0x9b: {  	s6 =	simm.s32 $0x1BFF;
	s21 =	sshll.u32 s5, $0x1;
	s3 =	sadd.s32 s20, s19  }
0x9c: {  	s22 =	simm.s32 $0x0;
	s4 =	sshll.u32 s4, $0x1;
	s5 =	sadd.s32 s21, s3  }
0x9d: {  	[timem:s22], [sflag:s6] =	dma.local [hbm:s5], s4  }
0x9e: {  	_ =	swait.ge [sflag:s6], s4  }
0x9f: {  	s4 =	ssub.s32 $0x0, s4;
	[sflag:s6] =	ssyncset.done $0x0  }
0xa0: {  	[sflag:s6] =	ssyncadd.s32 s4;
	_ =	sdelay $0x1  }
0xa1: {  	s23 =	simm.s32 $0x1B8B  }
0xa2: {  	_ =	swait.ge [sflag:s23], $0x1  }
0xa3: {  	[sflag:s23] =	ssyncset.done $0x0  }
0xa4: {  	[sflag:s23] =	ssyncadd.s32 $0xFFFFFFFF  }
0xa5: {  	s4 =	sld [smem:$0x0]  }
0xa6: {  	s5 =	sand.u32 $0xFFFFFFFE, s1  }
0xa7: {  	p0 =	sne.s32 s1, s5  }
0xa8: {  	s5 =	sshll.u32 @p0 s5, $0xE  }
0xa9: {  	s5 =	sadd.s32 @p0 $0x11B8D, s5;
	s6 =	sshll.u32 @p0 s4, $0x11  }
0xaa: {  	s5 =	sor.u32 @p0 s6, s5  }
0xab: {  	[sflag:s5] =	ssyncadd.remote.s32 @p0 $0x1;
	_ =	sdelay $0x1  }
0xac: {  	s5 =	simm.s32 @p0 $0x1B8D  }
0xad: {  	_ =	swait.eq @p0 [sflag:s5], $0x1  }
0xae: {  	[sflag:s5] =	ssyncadd.s32 @p0 $0xFFFFFFFF  }
0xaf: {  	s6 =	sshll.u32 @!p0 s1, $0xE  }
0xb0: {  	s6 =	sor.u32 @!p0 $0x4000, s6;
	s5 =	simm.s32 @!p0 $0x1B8D  }
0xb1: {  	s4 =	sshll.u32 @!p0 s4, $0x11;
	s6 =	sadd.s32 @!p0 $0x11B8D, s6;
	_ =	swait.eq @!p0 [sflag:s5], $0x1  }
0xb2: {  	s4 =	sor.u32 @!p0 s4, s6;
	[sflag:s5] =	ssyncadd.s32 @!p0 $0xFFFFFFFF  }
0xb3: {  	s25 =	simm.s32 $0x1B8E;
	s24 =	sld [smem:$0x3FFE];
	[sflag:s4] =	ssyncadd.remote.s32 @!p0 $0x1  }
0xb4: {  	s26 =	simm.s32 $execute0_lowered;
	[smem:$0x3FD2] =	sst s25  }
0xb5: {  	s5 =	sshll.u32 s26, $0x1;
	_ =	strace $0x80000049;
	[dreg:$0x1] =	wrdreg $0xFFFFFFFF  }
0xb6: {  	s28 =	simm.s32 $_size_execute0_lowered;
	s3 =	sadd.s32 s3, s5;
	[dreg:$0x0] =	wrdreg $0x0  }
0xb7: {  	s5 =	sshll.u32 s28, $0x1;
	[dreg:$0x2] =	wrdreg s3  }
0xb8: {  	[dreg:$0x3] =	wrdreg s5  }
0xb9: {  	[dreg:$0x4] =	wrdreg $0xC0  }
0xba: {  	_ =	task [dreg:s22], $0x5FFFF  }
0xbb: {  	[dreg:$0x1] =	wrdreg $0xFFFFFFFF  }
0xbc: {  	[dreg:$0x0] =	wrdreg $0x60  }
0xbd: {  	[dreg:$0x2] =	wrdreg s24  }
0xbe: {  	[dreg:$0x3] =	wrdreg $0xA  }
0xbf: {  	_ =	task.clear_ibuf [dreg:s22], $0x4FFFF;
	_ =	strace $0x90000049  }
0xc0: {  	s29 =	simm.s32 $0xA;
	_ =	strace $0x8000004B  }
0xc1: {  	_ =	swait.ge [sflag:s29], $0x1  }
0xc2: {  	[sflag:s29] =	ssyncadd.s32 $0xFFFFFFFF  }
0xc3: {  	_ =	strace $0x9000004B  }
0xc4: {  	_ =	sfence  }
0xc5: {  	s30 =	sld [smem:$0x0];
	_ =	sdelay $0x2  }
0xc6: {  	s31 =	sshll.u32 s1, $0xD;
	s1 =	sshrl.u32 s1, $0x2  }
0xc7: {  	s4 =	sand.u32 $0x4000, s31;
	s1 =	sadd.s32 s1, s30  }
0xc8: {  	s0 =	sor.u32 s4, s0;
	s1 =	sshll.u32 s1, $0x11  }
0xc9: {  	s0 =	sor.u32 s1, s0  }
0xca: {  	s0 =	sadd.s32 $0x8F2B, s0  }
0xcb: {  	[sflag:s0] =	ssyncadd.remote.s32 $0x1  }
0xcc: {  	_ =	sfence.sel $0xFFFF  }
0xcd: {  	[dreg:$0x0] =	wrdreg $0xFFFFFFFF;
	(pc) =	sbr.abs _section_cstart, $3  }
0xce: {  	[dreg:$0x1] =	wrdreg $0xFFFFFFFF  }
0xcf: {  	_ =	task.clear_ibuf [dreg:s22], $0x2FFFF;
	_ =	strace $0x9FFFFFFF  }
0xd0: {  	(tm) =	ssettm $0x7FFFFFFF  }
0xd1: {  	_ =	shalt  }
tec
execute0_lowered:
.L_overlay_start_1:
0x0: {  	(tag) =	ssettag $0x1  }
0x1: {  	s0 =	srdreg.scid  }
0x2: {  	s14 =	rddreg [dreg:$0x0];
	s15 =	sand.u32 $0x1, s0  }
0x3: {  	s1 =	stileid.u32;
	s2 =	simm.s32 $0x0;
	s3 =	sshll.u32 s15, $0x6  }
0x4: {  	s0 =	rddreg [dreg:$0x1];
	s4 =	sshll.u32 s1, $0x7;
	s3 =	sadd.s32 s3, s14  }
0x5: {  	[smem:$0x7FF] =	sst s2;
	s3 =	sadd.s32 s4, s3  }
0x6: {  	_ =	strace $0x8000004A;
	s4 =	sadd.s32 $0x801000, s3;
	s3 =	simm.s32 $0x2  }
0x7: {  	[tilespmem:s2], [sflag:$0x2] =	stream.linear.gather [hbm4b:s4+s2], $0x200, $0x38;
	[tilespmem:$0x10200] =	vst v63  }
0x8: {  	_ =	swait.ge [sflag:s3], $0x200  }
0x9: {  	s6 =	simm.s32 $0x80;
	[sflag:s3] =	ssyncset.done $0x0  }
0xa: {  	s7 =	simm.s32 $0x200;
	s5 =	sadd.s32 $0x421000, s14;
	[sflag:s3] =	ssyncadd.s32 $0xFFFFFE00  }
0xb: {  	[tilespmem:s7], [sflag:$0x1] =	stream.indirect.gather [hbm4b:s5+s6], $0x80, s2, s6, $0xb8;
	[tilespmem:$0x10200] =	vst v63  }
0xc: {  	s8 =	simm.s32 $0x4200  }
0xd: {  	[tilespmem:s8], [sflag:$0x1] =	stream.indirect.gather [hbm4b:s5+s6], $0x80, s6, s6, $0xb8;
	[tilespmem:$0x10200] =	vst v63  }
0xe: {  	s9 =	simm.s32 $0x100;
	s10 =	simm.s32 $0x8200  }
0xf: {  	[tilespmem:s10], [sflag:$0x1] =	stream.indirect.gather [hbm4b:s5+s6], $0x80, s9, s6, $0xb8;
	[tilespmem:$0x10200] =	vst v63  }
0x10: {  	s11 =	simm.s32 $0x180;
	s12 =	simm.s32 $0xC200;
	s13 =	simm.s32 $0x1  }
0x11: {  	[tilespmem:s12], [sflag:$0x1] =	stream.indirect.gather [hbm4b:s5+s6], $0x80, s11, s6, $0xb8;
	[tilespmem:$0x10200] =	vst v63  }
0x12: {  	_ =	swait.ge [sflag:s13], $0x4000  }
0x13: {  	[sflag:s13] =	ssyncset.done $0x0  }
0x14: {  	[sflag:s13] =	ssyncadd.s32 $0xFFFFC000  }
0x15: {  	_ =	swait.ge [sflag:s13], $0x4000  }
0x16: {  	[sflag:s13] =	ssyncset.done $0x0  }
0x17: {  	s16 =	sshll.u32 s15, $0xD;
	s15 =	ssub.s32 $0x2, s15;
	[sflag:s13] =	ssyncadd.s32 $0xFFFFC000  }
0x18: {  	s31 =	sshrl.u32 s15, $0x1;
	_ =	swait.ge [sflag:s13], $0x4000  }
0x19: {  	s15 =	ssub.s32 s15, s31;
	[sflag:s13] =	ssyncset.done $0x0  }
0x1a: {  	s17 =	sshll.u32 s1, $0xE;
	s15 =	smax.u32 s15, $0x1;
	[sflag:s13] =	ssyncadd.s32 $0xFFFFC000  }
0x1b: {  	s14 =	sadd.s32 s16, s14;
	p0 =	sne.s32 s15, $0x1;
	_ =	swait.ge [sflag:s13], $0x4000  }
.Ltmp0:
0x1c: {  	s14 =	sadd.s32 s17, s14;
	[sflag:s13] =	ssyncset.done $0x0;
	(pc) =	sbr.rel @!p0 .LBB2_2-.Ltmp0, $4  }
0x1d: {  	s14 =	sadd.s32 $0x801800, s14;
	[sflag:s13] =	ssyncadd.s32 $0xFFFFC000  }
0x1e: {  	[hbm4b:s14+s2] =	stream.linear.scatter [tilespmem:s7], [sflag:$0x2], $0x10000, $0x38;
	[tilespmem:$0x10200] =	vst v63  }
0x1f: {  	_ =	swait.ge [sflag:s3], $0x10000  }
0x20: {  	s15 =	sadd.s32 $0xFFFFFFFF, s15;
	[sflag:s3] =	ssyncset.done $0x0  }
.LBB2_1:
0x21: {  	p0 =	sne.s32 s15, $0x1;
	s15 =	sadd.s32 $0xFFFFFFFF, s15;
	[sflag:s3] =	ssyncadd.s32 $0xFFFF0000  }
0x22: {  	[tilespmem:s2], [sflag:$0x2] =	stream.linear.gather [hbm4b:s4+s2], $0x200, $0x38;
	[tilespmem:$0x10200] =	vst v63  }
0x23: {  	_ =	swait.ge [sflag:s3], $0x200  }
0x24: {  	[sflag:s3] =	ssyncset.done $0x0  }
0x25: {  	[sflag:s3] =	ssyncadd.s32 $0xFFFFFE00  }
0x26: {  	[tilespmem:s7], [sflag:$0x1] =	stream.indirect.gather [hbm4b:s5+s6], $0x80, s2, s6, $0xb8;
	[tilespmem:$0x10200] =	vst v63  }
0x27: {  	_ = 	snop  }
0x28: {  	[tilespmem:s8], [sflag:$0x1] =	stream.indirect.gather [hbm4b:s5+s6], $0x80, s6, s6, $0xb8;
	[tilespmem:$0x10200] =	vst v63  }
0x29: {  	_ = 	snop  }
0x2a: {  	[tilespmem:s10], [sflag:$0x1] =	stream.indirect.gather [hbm4b:s5+s6], $0x80, s9, s6, $0xb8;
	[tilespmem:$0x10200] =	vst v63  }
0x2b: {  	_ = 	snop  }
0x2c: {  	[tilespmem:s12], [sflag:$0x1] =	stream.indirect.gather [hbm4b:s5+s6], $0x80, s11, s6, $0xb8;
	[tilespmem:$0x10200] =	vst v63  }
0x2d: {  	_ =	swait.ge [sflag:s13], $0x4000  }
0x2e: {  	[sflag:s13] =	ssyncset.done $0x0  }
0x2f: {  	[sflag:s13] =	ssyncadd.s32 $0xFFFFC000  }
0x30: {  	_ =	swait.ge [sflag:s13], $0x4000  }
0x31: {  	[sflag:s13] =	ssyncset.done $0x0  }
0x32: {  	[sflag:s13] =	ssyncadd.s32 $0xFFFFC000  }
0x33: {  	_ =	swait.ge [sflag:s13], $0x4000  }
0x34: {  	[sflag:s13] =	ssyncset.done $0x0  }
0x35: {  	[sflag:s13] =	ssyncadd.s32 $0xFFFFC000  }
0x36: {  	_ =	swait.ge [sflag:s13], $0x4000  }
.Ltmp1:
0x37: {  	[sflag:s13] =	ssyncset.done $0x0;
	(pc) =	sbr.rel @p0 .LBB2_1-.Ltmp1, $4  }
0x38: {  	[sflag:s13] =	ssyncadd.s32 $0xFFFFC000  }
0x39: {  	[hbm4b:s14+s2] =	stream.linear.scatter [tilespmem:s7], [sflag:$0x2], $0x10000, $0x38;
	[tilespmem:$0x10200] =	vst v63  }
0x3a: {  	_ =	swait.ge [sflag:s3], $0x10000  }
0x3b: {  	[sflag:s3] =	ssyncset.done $0x0  }
.LBB2_2:
0x3c: {  	[sflag:s3] =	ssyncadd.s32 $0xFFFF0000  }
0x3d: {  	_ =	sfence.sel $0x180000  }
0x3e: {  	[bflag:$0x0] =	sbarrier.arrive $0xFFFF  }
0x3f: {  	p0 =	sne.s32 s1, $0x0;
	_ =	strace $0x9000004A  }
0x40: {  	s0 =	sadd.s32 @!p0 $0x100000, s0;
	[bflag:$0x2] =	sbarrier.arrive $0xFFFF  }
0x41: {  	[sflag:s0] =	ssyncadd.tile.s32 @!p0 $0x1;
	_ =	shalt  }
.Lfunc_end2:
_tile_overlayer_lowered:
.L_overlay_start_2:
0x42: {  	(tag) =	ssettag $0x2  }
0x43: {  	s0 =	rddreg [dreg:$0x0];
	s2 =	stileid.u32  }
0x44: {  	s1 =	rddreg [dreg:$0x1];
	p0 =	sne.s32 s2, $0x0  }
0x45: {  	s3 =	rddreg [dreg:$0x2];
	[bflag:$0x3] =	sbarrier.arrive $0xFFFF;
	s2 =	simm.s32 @!p0 $0x1C02  }
0x46: {  	[timem:s3], [sflag:s2] =	dma.local @!p0 [hbm:s0], s1  }
0x47: {  	s0 =	simm.s32 @!p0 $0x2  }
0x48: {  	_ =	swait.ge @!p0 [sflag:s0], s1  }
0x49: {  	s1 =	ssub.s32 @!p0 $0x0, s1;
	[sflag:s0] =	ssyncset.done @!p0 $0x0  }
0x4a: {  	[sflag:s0] =	ssyncadd.s32 @!p0 s1  }
0x4b: {  	[bflag:$0x3] =	sbarrier.arrive $0xFFFF  }
0x4c: {  	_ =	shalt  }

// kernel: kernel.7.cloned.1.call-start
scs
__scs_entry_jumppad:
0x0: {  	(pc) =	sbr.rel $0x88, $3  }
0x1: {  	(tag) =	ssettag $0x0;
	lr =	simm.s32 $0x1  }
0x2: {  	[smem:$0x3F9D] =	sst lr;
	_ =	strace $0xD0000000  }
0x3: {  	_ = 	snop  }
0x4: {  	_ = 	snop  }
0x5: {  	_ = 	snop  }
0x6: {  	_ = 	snop  }
0x7: {  	_ = 	snop  }
__scs_overlays_trampoline_lowered:
0x8: {  	[smem:$0x3FAC] =	sst s0  }
0x9: {  	[smem:$0x3FAD] =	sst s1  }
0xa: {  	[smem:$0x3FAE] =	sst s2  }
0xb: {  	[smem:$0x3FAF] =	sst s3  }
0xc: {  	[smem:$0x3FB0] =	sst s4  }
0xd: {  	[smem:$0x3FB1] =	sst s5  }
0xe: {  	[smem:$0x3FB2] =	sst s6  }
0xf: {  	[smem:$0x3FB3] =	sst s7  }
0x10: {  	[smem:$0x3FB4] =	sst s8  }
0x11: {  	[smem:$0x3FB5] =	sst s9;
	s0 =	simm.s32 @!p0 $0x0  }
0x12: {  	s1 =	sld [smem:$0x3F9B];
	s0 =	simm.s32 @p0 $0x1  }
0x13: {  	[smem:$0x3FB6] =	sst s0;
	s0 =	simm.s32 @!p1 $0x0  }
0x14: {  	s2 =	sld [smem:$0x3F9A];
	s0 =	simm.s32 @p1 $0x1  }
0x15: {  	[smem:$0x3FB7] =	sst s0;
	s0 =	simm.s32 @!p2 $0x0  }
0x16: {  	s3 =	sld [smem:$0x3FDB];
	s0 =	simm.s32 @p2 $0x1  }
0x17: {  	s4 =	simm.s32 $0x1BF5;
	[smem:$0x3FB9] =	sst s0  }
0x18: {  	s0 =	sld [smem:$0x3F9C];
	_ =	swait.ge [sflag:s4], $0x0  }
0x19: {  	s7 =	sld [smem:$0x3F9D]  }
0x1a: {  	s8 =	sadd.s32 $0xFFFFE003, lr  }
0x1b: {  	s9 =	sadd.s32 $0xFFFFFEF7, lr;
	s5 =	simm.s32 $0xFFFFFFFF;
	p2 =	slt.u32 s8, $0xFFFFF086  }
0x1c: {  	p1 =	slt.u32 s9, $0xF7A;
	s5 =	simm.s32 @!p2 $0x0  }
0x1d: {  	s5 =	simm.s32 @p1 $0x1;
	p0 =	seq.s32 s7, s2  }
0x1e: {  	s7 =	smul.u32 @!p0 $0xF7A, s2;
	p2 =	seq.s32 @!p0 s5, $0x0  }
0x1f: {  	s9 =	smul.u32 $0xF7A, s1;
	s8 =	simm.s32 @!p0 $0x1BF5;
	p2 =	por !p2, p0  }
0x20: {  	[sflag:s8] =	ssyncset.s32 @!p0 $0xFFFFF086;
	s6 =	sadd.s32 @!p0 s3, s7;
	s7 =	simm.s32 @!p0 $0x108  }
0x21: {  	s3 =	sadd.s32 s3, s9;
	s6 =	sadd.s32 @!p0 $0x88, s6;
	s7 =	simm.s32 @p2 $0x1082  }
0x22: {  	[simem:s7], [sflag:s8] =	dma.local @!p0 [hbm:s6], $0xF7A  }
0x23: {  	s9 =	sor.u32 $0xD0000000, s2;
	s6 =	simm.s32 $0x108;
	_ =	swait.ge @!p0 [sflag:s8], $0x0  }
0x24: {  	s3 =	sadd.s32 $0x88, s3;
	s6 =	simm.s32 @!p1 $0x1082;
	[sflag:s4] =	ssyncset.s32 $0xFFFFF086  }
0x25: {  	[simem:s6], [sflag:s4] =	dma.local [hbm:s3], $0xF7A  }
0x26: {  	[smem:$0x3F9D] =	sst s1;
	(tag) =	ssettag s2;
	_ =	strace s9  }
0x27: {  	s1 =	sld [smem:$0x3FAD]  }
0x28: {  	s2 =	sld [smem:$0x3FAE]  }
0x29: {  	s4 =	sld [smem:$0x3FB0]  }
0x2a: {  	p0 =	seq.s32 s5, $0x0;
	s5 =	sld [smem:$0x3FB1]  }
0x2b: {  	s6 =	sld [smem:$0x3FB2]  }
0x2c: {  	s7 =	sld [smem:$0x3FB3]  }
0x2d: {  	s3 =	simm.s32 $0x108;
	s8 =	sld [smem:$0x3FB4]  }
0x2e: {  	s3 =	simm.s32 @!p0 $0x1082;
	s9 =	sld [smem:$0x3FB5]  }
0x2f: {  	lr =	sadd.s32 s0, s3;
	s0 =	sld [smem:$0x3FAC]  }
0x30: {  	s3 =	sld [smem:$0x3FAF]  }
0x31: {  	[smem:$0x3FB8] =	sst s10  }
0x32: {  	s10 =	sld [smem:$0x3FB6];
	_ =	sdelay $0x3  }
0x33: {  	p0 =	seq.s32 s10, $0x1;
	s10 =	sld [smem:$0x3FB8];
	_ =	sdelay $0x3  }
0x34: {  	[smem:$0x3FB8] =	sst s10  }
0x35: {  	s10 =	sld [smem:$0x3FB7];
	_ =	sdelay $0x3  }
0x36: {  	p1 =	seq.s32 s10, $0x1;
	s10 =	sld [smem:$0x3FB8];
	_ =	sdelay $0x3  }
0x37: {  	[smem:$0x3FB8] =	sst s10  }
0x38: {  	s10 =	sld [smem:$0x3FB9]  }
0x39: {  	_ = 	snop;
	(pc) =	sbr.ind lr, $3  }
0x3a: {  	_ = 	snop  }
0x3b: {  	_ = 	snop  }
0x3c: {  	p2 =	seq.s32 s10, $0x1;
	s10 =	sld [smem:$0x3FB8]  }
0x3d: {  	_ =	shalt  }
0x3e: {  	_ =	shalt  }
0x3f: {  	_ =	shalt  }
0x40: {  	_ =	shalt  }
0x41: {  	_ =	shalt  }
0x42: {  	_ =	shalt  }
0x43: {  	_ =	shalt  }
0x44: {  	_ =	shalt  }
0x45: {  	_ =	shalt  }
0x46: {  	_ =	shalt  }
0x47: {  	_ =	shalt  }
0x48: {  	_ =	shalt  }
0x49: {  	_ =	shalt  }
0x4a: {  	_ =	shalt  }
0x4b: {  	_ =	shalt  }
0x4c: {  	_ =	shalt  }
0x4d: {  	_ =	shalt  }
0x4e: {  	_ =	shalt  }
0x4f: {  	_ =	shalt  }
0x50: {  	_ =	shalt  }
0x51: {  	_ =	shalt  }
0x52: {  	_ =	shalt  }
0x53: {  	_ =	shalt  }
0x54: {  	_ =	shalt  }
0x55: {  	_ =	shalt  }
0x56: {  	_ =	shalt  }
0x57: {  	_ =	shalt  }
0x58: {  	_ =	shalt  }
0x59: {  	_ =	shalt  }
0x5a: {  	_ =	shalt  }
0x5b: {  	_ =	shalt  }
0x5c: {  	_ =	shalt  }
0x5d: {  	_ =	shalt  }
0x5e: {  	_ =	shalt  }
0x5f: {  	_ =	shalt  }
0x60: {  	_ =	shalt  }
0x61: {  	_ =	shalt  }
0x62: {  	_ =	shalt  }
0x63: {  	_ =	shalt  }
0x64: {  	_ =	shalt  }
0x65: {  	_ =	shalt  }
0x66: {  	_ =	shalt  }
0x67: {  	_ =	shalt  }
0x68: {  	_ =	shalt  }
0x69: {  	_ =	shalt  }
0x6a: {  	_ =	shalt  }
0x6b: {  	_ =	shalt  }
0x6c: {  	_ =	shalt  }
0x6d: {  	_ =	shalt  }
0x6e: {  	_ =	shalt  }
0x6f: {  	_ =	shalt  }
0x70: {  	_ =	shalt  }
0x71: {  	_ =	shalt  }
0x72: {  	_ =	shalt  }
0x73: {  	_ =	shalt  }
0x74: {  	_ =	shalt  }
0x75: {  	_ =	shalt  }
0x76: {  	_ =	shalt  }
0x77: {  	_ =	shalt  }
0x78: {  	_ =	shalt  }
0x79: {  	_ =	shalt  }
0x7a: {  	_ =	shalt  }
0x7b: {  	_ =	shalt  }
0x7c: {  	_ =	shalt  }
0x7d: {  	_ =	shalt  }
0x7e: {  	_ =	shalt  }
0x7f: {  	_ =	shalt  }
0x80: {  	_ =	shalt  }
0x81: {  	_ =	shalt  }
0x82: {  	_ =	shalt  }
0x83: {  	_ =	shalt  }
0x84: {  	_ =	shalt  }
0x85: {  	_ =	shalt  }
0x86: {  	_ =	shalt  }
0x87: {  	_ =	shalt  }
.Lfunc_end0:
.L_simem_size_0:
called_computation_lowered:
.L_overlay_start_0:
0x88: {  	s2 =	sld [smem:$0x3FD9]  }
0x89: {  	s3 =	sld [smem:$0x3FFE];
	_ =	sdelay $0x1  }
0x8a: {  	s1 =	srdreg.scid  }
0x8b: {  	s0 =	sand.u32 $0x1, s1  }
0x8c: {  	s17 =	sshll.u32 s0, $0xA;
	s2 =	sadd.s32 s3, s2  }
0x8d: {  	s2 =	sadd.s32 s2, s17  }
0x8e: {  	[smem:$0x3FC4] =	sst s2  }
0x8f: {  	_ = 	snop  }
0x90: {  	s2 =	sld [smem:$0x3FD0];
	(tm) =	ssettm $0x1  }
0x91: {  	s18 =	sld [smem:$0x3FFB];
	_ =	sdelay $0x3  }
0x92: {  	_ =	strace s18  }
0x93: {  	s3 =	sld [smem:$0x3FFC];
	_ =	sdelay $0x3  }
0x94: {  	_ =	strace s3  }
0x95: {  	s3 =	sld [smem:$0x3FFD];
	_ =	sdelay $0x3  }
0x96: {  	_ =	strace s3  }
0x97: {  	_ =	strace $0x8FFFFFFF  }
0x98: {  	s19 =	sld [smem:$0x3FDB];
	_ =	sdelay $0x1  }
0x99: {  	s4 =	simm.s32 $_scs_section_size  }
0x9a: {  	s5 =	simm.s32 $_size__tile_overlayer_lowered;
	s6 =	simm.s32 $_tile_overlayer_lowered  }
0x9b: {  	s22 =	simm.s32 $0x1BFF;
	s21 =	sshll.u32 s6, $0x1;
	s3 =	sadd.s32 s4, s19  }
0x9c: {  	s7 =	simm.s32 $0x0;
	s20 =	sshll.u32 s5, $0x1;
	s5 =	sadd.s32 s21, s3  }
0x9d: {  	[timem:s7], [sflag:s22] =	dma.local [hbm:s5], s20  }
0x9e: {  	_ =	swait.ge [sflag:s22], s20  }
0x9f: {  	s4 =	ssub.s32 $0x0, s20;
	[sflag:s22] =	ssyncset.done $0x0  }
0xa0: {  	[sflag:s22] =	ssyncadd.s32 s4;
	_ =	sdelay $0x1  }
0xa1: {  	s23 =	simm.s32 $0x1B8B  }
0xa2: {  	_ =	swait.ge [sflag:s23], $0x1  }
0xa3: {  	[sflag:s23] =	ssyncset.done $0x0  }
0xa4: {  	s25 =	simm.s32 $0x1B8E;
	s24 =	sld [smem:$0x3FFE];
	[sflag:s23] =	ssyncadd.s32 $0xFFFFFFFF  }
0xa5: {  	s26 =	simm.s32 $execute0_lowered;
	[smem:$0x3FD2] =	sst s25  }
0xa6: {  	s5 =	sshll.u32 s26, $0x1;
	_ =	strace $0x80000046;
	[dreg:$0x1] =	wrdreg $0xFFFFFFFF  }
0xa7: {  	s28 =	simm.s32 $_size_execute0_lowered;
	s3 =	sadd.s32 s3, s5;
	[dreg:$0x0] =	wrdreg $0x0  }
0xa8: {  	s5 =	sshll.u32 s28, $0x1;
	[dreg:$0x2] =	wrdreg s3  }
0xa9: {  	[dreg:$0x3] =	wrdreg s5  }
0xaa: {  	[dreg:$0x4] =	wrdreg $0xC0  }
0xab: {  	_ =	task [dreg:s7], $0x5FFFF  }
0xac: {  	[dreg:$0x1] =	wrdreg $0xFFFFFFFF  }
0xad: {  	[dreg:$0x0] =	wrdreg $0x60  }
0xae: {  	[dreg:$0x2] =	wrdreg s2  }
0xaf: {  	[dreg:$0x3] =	wrdreg s24  }
0xb0: {  	[dreg:$0x4] =	wrdreg $0x9  }
0xb1: {  	_ =	task.clear_ibuf [dreg:s7], $0x5FFFF;
	_ =	strace $0x90000046  }
0xb2: {  	s29 =	simm.s32 $0x9;
	_ =	strace $0x80000048  }
0xb3: {  	_ =	swait.ge [sflag:s29], $0x1  }
0xb4: {  	[sflag:s29] =	ssyncadd.s32 $0xFFFFFFFF  }
0xb5: {  	_ =	strace $0x90000048  }
0xb6: {  	_ =	sfence  }
0xb7: {  	s30 =	sld [smem:$0x0];
	_ =	sdelay $0x2  }
0xb8: {  	s31 =	sshll.u32 s1, $0xD;
	s1 =	sshrl.u32 s1, $0x2  }
0xb9: {  	s3 =	sand.u32 $0x4000, s31;
	s1 =	sadd.s32 s1, s30  }
0xba: {  	s0 =	sor.u32 s3, s0;
	s1 =	sshll.u32 s1, $0x11  }
0xbb: {  	s0 =	sor.u32 s1, s0  }
0xbc: {  	s0 =	sadd.s32 $0x8F2B, s0  }
0xbd: {  	[sflag:s0] =	ssyncadd.remote.s32 $0x1  }
0xbe: {  	_ =	sfence.sel $0xFFFF  }
0xbf: {  	[dreg:$0x0] =	wrdreg $0xFFFFFFFF;
	(pc) =	sbr.abs _section_cstart, $3  }
0xc0: {  	[dreg:$0x1] =	wrdreg $0xFFFFFFFF  }
0xc1: {  	_ =	task.clear_ibuf [dreg:s7], $0x2FFFF;
	_ =	strace $0x9FFFFFFF  }
0xc2: {  	(tm) =	ssettm $0x7FFFFFFF  }
0xc3: {  	_ =	shalt  }
tec
execute0_lowered:
.L_overlay_start_1:
0x0: {  	(tag) =	ssettag $0x1  }
0x1: {  	s3 =	rddreg [dreg:$0x0]  }
0x2: {  	s14 =	rddreg [dreg:$0x1];
	s1 =	srdreg.scid  }
0x3: {  	s0 =	rddreg [dreg:$0x2];
	s15 =	sand.u32 $0x1, s1  }
0x4: {  	s2 =	simm.s32 $0x0;
	s1 =	stileid.u32;
	s4 =	sshll.u32 s15, $0x6  }
0x5: {  	[smem:$0x7FF] =	sst s2;
	s5 =	sshll.u32 s1, $0x7;
	s3 =	sadd.s32 s3, s4  }
0x6: {  	_ =	strace $0x80000047;
	s4 =	sadd.s32 s5, s3;
	s3 =	simm.s32 $0x2  }
0x7: {  	[tilespmem:s2], [sflag:$0x2] =	stream.linear.gather [hbm4b:s4+s2], $0x200, $0x38;
	[tilespmem:$0x10200] =	vst v63  }
0x8: {  	_ =	swait.ge [sflag:s3], $0x200  }
0x9: {  	s6 =	simm.s32 $0x80;
	[sflag:s3] =	ssyncset.done $0x0  }
0xa: {  	s7 =	simm.s32 $0x200;
	s5 =	sadd.s32 $0x1000, s14;
	[sflag:s3] =	ssyncadd.s32 $0xFFFFFE00  }
0xb: {  	[tilespmem:s7], [sflag:$0x1] =	stream.indirect.gather [hbm4b:s5+s6], $0x80, s2, s6, $0xb8;
	[tilespmem:$0x10200] =	vst v63  }
0xc: {  	s8 =	simm.s32 $0x4200  }
0xd: {  	[tilespmem:s8], [sflag:$0x1] =	stream.indirect.gather [hbm4b:s5+s6], $0x80, s6, s6, $0xb8;
	[tilespmem:$0x10200] =	vst v63  }
0xe: {  	s9 =	simm.s32 $0x100;
	s10 =	simm.s32 $0x8200  }
0xf: {  	[tilespmem:s10], [sflag:$0x1] =	stream.indirect.gather [hbm4b:s5+s6], $0x80, s9, s6, $0xb8;
	[tilespmem:$0x10200] =	vst v63  }
0x10: {  	s11 =	simm.s32 $0x180;
	s12 =	simm.s32 $0xC200;
	s13 =	simm.s32 $0x1  }
0x11: {  	[tilespmem:s12], [sflag:$0x1] =	stream.indirect.gather [hbm4b:s5+s6], $0x80, s11, s6, $0xb8;
	[tilespmem:$0x10200] =	vst v63  }
0x12: {  	_ =	swait.ge [sflag:s13], $0x4000  }
0x13: {  	[sflag:s13] =	ssyncset.done $0x0  }
0x14: {  	[sflag:s13] =	ssyncadd.s32 $0xFFFFC000  }
0x15: {  	_ =	swait.ge [sflag:s13], $0x4000  }
0x16: {  	[sflag:s13] =	ssyncset.done $0x0  }
0x17: {  	s16 =	sshll.u32 s15, $0xD;
	s15 =	ssub.s32 $0x2, s15;
	[sflag:s13] =	ssyncadd.s32 $0xFFFFC000  }
0x18: {  	s31 =	sshrl.u32 s15, $0x1;
	_ =	swait.ge [sflag:s13], $0x4000  }
0x19: {  	s15 =	ssub.s32 s15, s31;
	[sflag:s13] =	ssyncset.done $0x0  }
0x1a: {  	s17 =	sshll.u32 s1, $0xE;
	s15 =	smax.u32 s15, $0x1;
	[sflag:s13] =	ssyncadd.s32 $0xFFFFC000  }
0x1b: {  	s14 =	sadd.s32 s16, s14;
	p0 =	sne.s32 s15, $0x1;
	_ =	swait.ge [sflag:s13], $0x4000  }
.Ltmp0:
0x1c: {  	s14 =	sadd.s32 s17, s14;
	[sflag:s13] =	ssyncset.done $0x0;
	(pc) =	sbr.rel @!p0 .LBB2_2-.Ltmp0, $4  }
0x1d: {  	s14 =	sadd.s32 $0x3E1000, s14;
	[sflag:s13] =	ssyncadd.s32 $0xFFFFC000  }
0x1e: {  	[hbm4b:s14+s2] =	stream.linear.scatter [tilespmem:s7], [sflag:$0x2], $0x10000, $0x38;
	[tilespmem:$0x10200] =	vst v63  }
0x1f: {  	_ =	swait.ge [sflag:s3], $0x10000  }
0x20: {  	s15 =	sadd.s32 $0xFFFFFFFF, s15;
	[sflag:s3] =	ssyncset.done $0x0  }
.LBB2_1:
0x21: {  	p0 =	sne.s32 s15, $0x1;
	s15 =	sadd.s32 $0xFFFFFFFF, s15;
	[sflag:s3] =	ssyncadd.s32 $0xFFFF0000  }
0x22: {  	[tilespmem:s2], [sflag:$0x2] =	stream.linear.gather [hbm4b:s4+s2], $0x200, $0x38;
	[tilespmem:$0x10200] =	vst v63  }
0x23: {  	_ =	swait.ge [sflag:s3], $0x200  }
0x24: {  	[sflag:s3] =	ssyncset.done $0x0  }
0x25: {  	[sflag:s3] =	ssyncadd.s32 $0xFFFFFE00  }
0x26: {  	[tilespmem:s7], [sflag:$0x1] =	stream.indirect.gather [hbm4b:s5+s6], $0x80, s2, s6, $0xb8;
	[tilespmem:$0x10200] =	vst v63  }
0x27: {  	_ = 	snop  }
0x28: {  	[tilespmem:s8], [sflag:$0x1] =	stream.indirect.gather [hbm4b:s5+s6], $0x80, s6, s6, $0xb8;
	[tilespmem:$0x10200] =	vst v63  }
0x29: {  	_ = 	snop  }
0x2a: {  	[tilespmem:s10], [sflag:$0x1] =	stream.indirect.gather [hbm4b:s5+s6], $0x80, s9, s6, $0xb8;
	[tilespmem:$0x10200] =	vst v63  }
0x2b: {  	_ = 	snop  }
0x2c: {  	[tilespmem:s12], [sflag:$0x1] =	stream.indirect.gather [hbm4b:s5+s6], $0x80, s11, s6, $0xb8;
	[tilespmem:$0x10200] =	vst v63  }
0x2d: {  	_ =	swait.ge [sflag:s13], $0x4000  }
0x2e: {  	[sflag:s13] =	ssyncset.done $0x0  }
0x2f: {  	[sflag:s13] =	ssyncadd.s32 $0xFFFFC000  }
0x30: {  	_ =	swait.ge [sflag:s13], $0x4000  }
0x31: {  	[sflag:s13] =	ssyncset.done $0x0  }
0x32: {  	[sflag:s13] =	ssyncadd.s32 $0xFFFFC000  }
0x33: {  	_ =	swait.ge [sflag:s13], $0x4000  }
0x34: {  	[sflag:s13] =	ssyncset.done $0x0  }
0x35: {  	[sflag:s13] =	ssyncadd.s32 $0xFFFFC000  }
0x36: {  	_ =	swait.ge [sflag:s13], $0x4000  }
.Ltmp1:
0x37: {  	[sflag:s13] =	ssyncset.done $0x0;
	(pc) =	sbr.rel @p0 .LBB2_1-.Ltmp1, $4  }
0x38: {  	[sflag:s13] =	ssyncadd.s32 $0xFFFFC000  }
0x39: {  	[hbm4b:s14+s2] =	stream.linear.scatter [tilespmem:s7], [sflag:$0x2], $0x10000, $0x38;
	[tilespmem:$0x10200] =	vst v63  }
0x3a: {  	_ =	swait.ge [sflag:s3], $0x10000  }
0x3b: {  	[sflag:s3] =	ssyncset.done $0x0  }
.LBB2_2:
0x3c: {  	[sflag:s3] =	ssyncadd.s32 $0xFFFF0000  }
0x3d: {  	_ =	sfence.sel $0x180000  }
0x3e: {  	[bflag:$0x0] =	sbarrier.arrive $0xFFFF  }
0x3f: {  	p0 =	sne.s32 s1, $0x0;
	_ =	strace $0x90000047  }
0x40: {  	s0 =	sadd.s32 @!p0 $0x100000, s0;
	[bflag:$0x2] =	sbarrier.arrive $0xFFFF  }
0x41: {  	[sflag:s0] =	ssyncadd.tile.s32 @!p0 $0x1;
	_ =	shalt  }
.Lfunc_end2:
_tile_overlayer_lowered:
.L_overlay_start_2:
0x42: {  	(tag) =	ssettag $0x2  }
0x43: {  	s0 =	rddreg [dreg:$0x0];
	s2 =	stileid.u32  }
0x44: {  	s1 =	rddreg [dreg:$0x1];
	p0 =	sne.s32 s2, $0x0  }
0x45: {  	s3 =	rddreg [dreg:$0x2];
	[bflag:$0x3] =	sbarrier.arrive $0xFFFF;
	s2 =	simm.s32 @!p0 $0x1C02  }
0x46: {  	[timem:s3], [sflag:s2] =	dma.local @!p0 [hbm:s0], s1  }
0x47: {  	s0 =	simm.s32 @!p0 $0x2  }
0x48: {  	_ =	swait.ge @!p0 [sflag:s0], s1  }
0x49: {  	s1 =	ssub.s32 @!p0 $0x0, s1;
	[sflag:s0] =	ssyncset.done @!p0 $0x0  }
0x4a: {  	[sflag:s0] =	ssyncadd.s32 @!p0 s1  }
0x4b: {  	[bflag:$0x3] =	sbarrier.arrive $0xFFFF  }
0x4c: {  	_ =	shalt  }

</sc_bundles>
